<compile_context>
chip_gen: v7x
topology: tpu7x:2x2x1
jax: 0.10.2.dev20260603
libtpu: 0.0.44.dev20260713+nightly
codegen_flags: <defaults>
</compile_context>

<pallas_src>
import functools

import jax
import jax.numpy as jnp
from jax import lax
from jax.experimental import pallas as pl
from jax.experimental.pallas import tpu as pltpu
from jax.experimental.pallas import tpu_sc as plsc

N = 10000
D = 128
NC, NS = 2, 16
NW = NC * NS
CHUNK = 128
N_PAD = 10240
ROWS_PER_SUB = N_PAD // NS
CNT_PAD = 10240
CNT_STRIPE = CNT_PAD // NS


def _sc_aggregate(table, edges_il, zeros2d, zeros1d, ones1d, with_counts,
                  k_sc0, k_sc1):
  mesh = plsc.VectorSubcoreMesh(core_axis_name="c", subcore_axis_name="s")

  out_type = [jax.ShapeDtypeStruct((NC * N_PAD, D), jnp.float32)]
  if with_counts:
    out_type.append(jax.ShapeDtypeStruct((NC * CNT_PAD,), jnp.float32))

  scratch = [
      pltpu.VMEM_SHARED((N_PAD, D), jnp.float32),
      pltpu.VMEM_SHARED((CNT_PAD,), jnp.float32),
      pltpu.VMEM((2, CHUNK), jnp.int32),
      pltpu.VMEM((CHUNK, D), jnp.float32),
      pltpu.VMEM((CHUNK,), jnp.float32),
      pltpu.SemaphoreType.DMA,
  ]

  def body(table_h, edge_h, z2_h, z1_h, ones_h, *rest):
    if with_counts:
      sums_out, cnt_out = rest[0], rest[1]
      rest = rest[2:]
    else:
      sums_out, cnt_out = rest[0], None
      rest = rest[1:]
    acc, cnt_acc, idx_v, rows_v, ones_v, sem = rest

    cid = lax.axis_index("c")
    sid = lax.axis_index("s")
    stripe = sid * ROWS_PER_SUB
    k_self = jnp.where(cid == 0, k_sc0, k_sc1)
    base = jnp.where(cid == 0, sid * k_sc0, NS * k_sc0 + sid * k_sc1) * 2

    pltpu.sync_copy(z2_h, acc.at[pl.ds(stripe, ROWS_PER_SUB)])
    pltpu.sync_copy(z1_h, cnt_acc.at[pl.ds(sid * CNT_STRIPE, CNT_STRIPE)])
    pltpu.sync_copy(ones_h, ones_v)
    plsc.subcore_barrier()

    @pl.loop(0, k_self)
    def _chunk(c):
      pltpu.sync_copy(edge_h.at[pl.ds(base + c * 2, 2)], idx_v)
      pltpu.async_copy(table_h.at[idx_v.at[0]], rows_v, sem).wait()
      pltpu.sync_copy(rows_v, acc.at[idx_v.at[1]], add=True)
      if with_counts:
        pltpu.sync_copy(ones_v, cnt_acc.at[idx_v.at[1]], add=True)

    plsc.subcore_barrier()
    out_off = cid * N_PAD + stripe
    pltpu.sync_copy(acc.at[pl.ds(stripe, ROWS_PER_SUB)],
                    sums_out.at[pl.ds(out_off, ROWS_PER_SUB)])
    if with_counts:
      pltpu.sync_copy(cnt_acc.at[pl.ds(sid * CNT_STRIPE, CNT_STRIPE)],
                      cnt_out.at[pl.ds(cid * CNT_PAD + sid * CNT_STRIPE,
                                       CNT_STRIPE)])

  fn = pl.kernel(body, out_type=tuple(out_type), mesh=mesh,
                 scratch_types=scratch)
  return fn(table, edges_il, zeros2d, zeros1d, ones1d)


SC0_SHARE = 0.575


def _dense_body(s0_ref, s1_ref, c_ref, x_ref, wl_ref, bl_ref, wr_ref, o_ref):
  c = c_ref[:, 0] + c_ref[:, 1]
  inv = 1.0 / jnp.maximum(c, 1.0)
  mean = (s0_ref[...] + s1_ref[...]) * inv[:, None]
  out = (jnp.dot(mean, wl_ref[...], preferred_element_type=jnp.float32)
         + jnp.dot(x_ref[...], wr_ref[...], preferred_element_type=jnp.float32)
         + bl_ref[...])
  nrm = jnp.sqrt(jnp.sum(out * out, axis=-1, keepdims=True))
  out = out / jnp.maximum(nrm, 1e-12)
  o_ref[...] = jnp.where(out > 0, out, jnp.exp(out) - 1.0)


def _tc_dense(s0, s1, cpair, x, wl, bl, wr):
  rows = 1000
  grid = (N // rows,)
  return pl.pallas_call(
      _dense_body,
      grid=grid,
      in_specs=[
          pl.BlockSpec((rows, D), lambda i: (i, 0)),
          pl.BlockSpec((rows, D), lambda i: (i, 0)),
          pl.BlockSpec((rows, 2), lambda i: (i, 0)),
          pl.BlockSpec((rows, D), lambda i: (i, 0)),
          pl.BlockSpec((D, D), lambda i: (0, 0)),
          pl.BlockSpec((1, D), lambda i: (0, 0)),
          pl.BlockSpec((D, D), lambda i: (0, 0)),
      ],
      out_specs=pl.BlockSpec((rows, D), lambda i: (i, 0)),
      out_shape=jax.ShapeDtypeStruct((N, D), jnp.float32),
  )(s0, s1, cpair, x, wl, bl, wr)


def kernel(x, edge_index, Wl1, bl1, Wr1, Wl2, bl2, Wr2):
  src = edge_index[0]
  dst = edge_index[1]
  e = src.shape[0]
  k_pair = -(-e // (NS * CHUNK))
  k_sc0 = max(1, min(k_pair - 1, round(k_pair * SC0_SHARE)))
  k_sc1 = k_pair - k_sc0
  e_pad = NS * k_pair * CHUNK
  pad = e_pad - e
  src_p = jnp.concatenate([src, jnp.zeros((pad,), jnp.int32)])
  dst_p = jnp.concatenate([dst, jnp.full((pad,), N, jnp.int32)])
  edges_il = jnp.stack(
      [src_p.reshape(-1, CHUNK), dst_p.reshape(-1, CHUNK)], axis=1
  ).reshape(-1, CHUNK)
  z2 = jnp.zeros((ROWS_PER_SUB, D), jnp.float32)
  z1 = jnp.zeros((CNT_STRIPE,), jnp.float32)
  ones = jnp.ones((CHUNK,), jnp.float32)
  bl1r = bl1.reshape(1, D)
  bl2r = bl2.reshape(1, D)

  sums1, cnt = _sc_aggregate(x, edges_il, z2, z1, ones, True, k_sc0, k_sc1)
  cpair = jnp.stack([cnt[:N], cnt[CNT_PAD:CNT_PAD + N]], axis=1)
  h1 = _tc_dense(sums1[:N], sums1[N_PAD:N_PAD + N], cpair, x, Wl1, bl1r, Wr1)

  (sums2,) = _sc_aggregate(h1, edges_il, z2, z1, ones, False, k_sc0, k_sc1)
  h2 = _tc_dense(sums2[:N], sums2[N_PAD:N_PAD + N], cpair, h1, Wl2, bl2r, Wr2)
  return h2

# --- scband reference (transcript-rebuilt; emitter-appended) ---
"""Pipeline reference for scband-sage-35218731828019 (READ-ONLY COPY).

The authoritative reference and input builder live on the scoring server;
editing this copy changes nothing except your own understanding.
"""

import jax, jax.numpy as jnp
import numpy as np

N = 10000
E = 320000
D = 128
H = 128


def setup_inputs(seed: int = 0) -> dict:
    key = jax.random.key(seed)
    ks = jax.random.split(key, 9)
    x = jax.random.normal(ks[0], (N, D), dtype=jnp.float32)
    edge_index = jax.random.randint(ks[1], (2, E), 0, N, dtype=jnp.int32)
    s1 = 1.0 / np.sqrt(D)
    s2 = 1.0 / np.sqrt(H)
    Wl1 = jax.random.uniform(ks[2], (D, H), jnp.float32, -s1, s1)
    bl1 = jax.random.uniform(ks[3], (H,), jnp.float32, -s1, s1)
    Wr1 = jax.random.uniform(ks[4], (D, H), jnp.float32, -s1, s1)
    Wl2 = jax.random.uniform(ks[5], (H, H), jnp.float32, -s2, s2)
    bl2 = jax.random.uniform(ks[6], (H,), jnp.float32, -s2, s2)
    Wr2 = jax.random.uniform(ks[7], (H, H), jnp.float32, -s2, s2)
    return {"x": x, "edge_index": edge_index, "Wl1": Wl1, "bl1": bl1,
            "Wr1": Wr1, "Wl2": Wl2, "bl2": bl2, "Wr2": Wr2}


def _sage_conv(x, src, dst, Wl, bl, Wr):
    # mean aggregation of neighbor messages (PyG SAGEConv, aggr='mean')
    msgs = x[src]
    summed = jax.ops.segment_sum(msgs, dst, num_segments=N)
    cnt = jax.ops.segment_sum(jnp.ones((E,), x.dtype), dst, num_segments=N)
    mean = summed / jnp.clip(cnt, 1.0)[:, None]
    out = mean @ Wl + bl + x @ Wr
    # normalize=True -> F.normalize(out, p=2, dim=-1)
    nrm = jnp.linalg.norm(out, axis=-1, keepdims=True)
    out = out / jnp.maximum(nrm, 1e-12)
    # F.elu after each conv; dropout treated as identity (eval-mode reference)
    return jax.nn.elu(out)


def reference(x, edge_index, Wl1, bl1, Wr1, Wl2, bl2, Wr2):
    src = edge_index[0]
    dst = edge_index[1]
    h = _sage_conv(x, src, dst, Wl1, bl1, Wr1)
    h = _sage_conv(h, src, dst, Wl2, bl2, Wr2)
    return h

if __name__ == "__main__":
    import jax
    _d = setup_inputs()
    print(jax.jit(kernel)(*tuple(_d.values())))

</pallas_src>

<mosaic_0001>
#map = affine_map<(d0, d1) -> (0, 0)>
#map1 = affine_map<(d0, d1) -> (0)>
module attributes {stable_mosaic.version = 14 : i64} {
  func.func @body(%arg0: i32, %arg1: i32, %arg2: memref<10000x128xf32, #tpu.memory_space<hbm>>, %arg3: memref<5024x128xi32, #tpu.memory_space<hbm>>, %arg4: memref<640x128xf32, #tpu.memory_space<hbm>>, %arg5: memref<640xf32, #tpu.memory_space<hbm>>, %arg6: memref<128xf32, #tpu.memory_space<hbm>>, %arg7: memref<20480x128xf32, #tpu.memory_space<hbm>>, %arg8: memref<20480xf32, #tpu.memory_space<hbm>>, %arg9: memref<10240x128xf32, #tpu.memory_space<vmem_shared>>, %arg10: memref<10240xf32, #tpu.memory_space<vmem_shared>>, %arg11: memref<2x128xi32, #tpu.memory_space<vmem>>, %arg12: memref<128x128xf32, #tpu.memory_space<vmem>>, %arg13: memref<128xf32, #tpu.memory_space<vmem>>, %arg14: memref<!tpu.dma_semaphore, #tpu.memory_space<semaphore_mem>>) attributes {dimension_semantics = [#tpu.dimension_semantics<core_parallel>, #tpu.dimension_semantics<subcore_parallel>], iteration_bounds = array<i64: 2, 16>, scalar_prefetch = 0 : i64, scratch_operands = 6 : i64, tpu.core_type = #tpu.core_type<sc_vector_subcore>, window_params = [{transform_indices = #map}, {transform_indices = #map}, {transform_indices = #map}, {transform_indices = #map1}, {transform_indices = #map1}, {transform_indices = #map}, {transform_indices = #map1}]} {
    %mul3A = arith.constant 640 : i32
    %mul3A_0 = arith.muli %arg1, %mul3A : i32
    %eq3A = arith.constant 0 : i32
    %eq3A_1 = arith.cmpi eq, %arg0, %eq3A : i32
    %jit3A = arith.constant 90 : i32
    %jit3A_2 = arith.constant 67 : i32
    %select_n3A = arith.select %eq3A_1, %jit3A, %jit3A_2 : i32
    %eq3A_3 = arith.constant 0 : i32
    %eq3A_4 = arith.cmpi eq, %arg0, %eq3A_3 : i32
    %mul3A_5 = arith.constant 90 : i32
    %mul3A_6 = arith.muli %arg1, %mul3A_5 : i32
    %mul3A_7 = arith.constant 67 : i32
    %mul3A_8 = arith.muli %arg1, %mul3A_7 : i32
    %add3A = arith.constant 1440 : i32
    %add3A_9 = arith.addi %add3A, %mul3A_8 : i32
    %select_n3A_10 = arith.select %eq3A_4, %mul3A_6, %add3A_9 : i32
    %mul3A_11 = arith.constant 2 : i32
    %mul3A_12 = arith.muli %select_n3A_10, %mul3A_11 : i32
    "tpu.region"() ({
      %run_scoped3A = tpu.sem_alloc : memref<!tpu.dma_semaphore, #tpu.memory_space<semaphore_mem>>
      %dma_start3A = arith.constant 0 : i32
      %dma_start3A_42 = tpu.memref_slice %arg9[%mul3A_0, %dma_start3A] : memref<10240x128xf32, #tpu.memory_space<vmem_shared>> -> memref<640x128xf32, #tpu.memory_space<vmem_shared>>
      tpu.enqueue_dma source(%arg4 : memref<640x128xf32, #tpu.memory_space<hbm>>) target(%dma_start3A_42 : memref<640x128xf32, #tpu.memory_space<vmem_shared>>) target_semaphore(%run_scoped3A : memref<!tpu.dma_semaphore, #tpu.memory_space<semaphore_mem>>)
      %dma_wait3A = arith.constant 0 : i32
      %dma_wait3A_43 = tpu.memref_slice %arg9[%mul3A_0, %dma_wait3A] : memref<10240x128xf32, #tpu.memory_space<vmem_shared>> -> memref<640x128xf32, #tpu.memory_space<vmem_shared>>
      tpu.wait_dma2 semaphore(%run_scoped3A : memref<!tpu.dma_semaphore, #tpu.memory_space<semaphore_mem>>) src(%arg4 : memref<640x128xf32, #tpu.memory_space<hbm>>) dst(%dma_wait3A_43 : memref<640x128xf32, #tpu.memory_space<vmem_shared>>)
      tpu.yield
    }) : () -> ()
    %mul3A_13 = arith.constant 640 : i32
    %mul3A_14 = arith.muli %arg1, %mul3A_13 : i32
    "tpu.region"() ({
      %run_scoped3A = tpu.sem_alloc : memref<!tpu.dma_semaphore, #tpu.memory_space<semaphore_mem>>
      %dma_start3A = tpu.memref_slice %arg10[%mul3A_14] : memref<10240xf32, #tpu.memory_space<vmem_shared>> -> memref<640xf32, #tpu.memory_space<vmem_shared>>
      tpu.enqueue_dma source(%arg5 : memref<640xf32, #tpu.memory_space<hbm>>) target(%dma_start3A : memref<640xf32, #tpu.memory_space<vmem_shared>>) target_semaphore(%run_scoped3A : memref<!tpu.dma_semaphore, #tpu.memory_space<semaphore_mem>>)
      %dma_wait3A = tpu.memref_slice %arg10[%mul3A_14] : memref<10240xf32, #tpu.memory_space<vmem_shared>> -> memref<640xf32, #tpu.memory_space<vmem_shared>>
      tpu.wait_dma2 semaphore(%run_scoped3A : memref<!tpu.dma_semaphore, #tpu.memory_space<semaphore_mem>>) src(%arg5 : memref<640xf32, #tpu.memory_space<hbm>>) dst(%dma_wait3A : memref<640xf32, #tpu.memory_space<vmem_shared>>)
      tpu.yield
    }) : () -> ()
    "tpu.region"() ({
      %run_scoped3A = tpu.sem_alloc : memref<!tpu.dma_semaphore, #tpu.memory_space<semaphore_mem>>
      tpu.enqueue_dma source(%arg6 : memref<128xf32, #tpu.memory_space<hbm>>) target(%arg13 : memref<128xf32, #tpu.memory_space<vmem>>) target_semaphore(%run_scoped3A : memref<!tpu.dma_semaphore, #tpu.memory_space<semaphore_mem>>)
      tpu.wait_dma2 semaphore(%run_scoped3A : memref<!tpu.dma_semaphore, #tpu.memory_space<semaphore_mem>>) src(%arg6 : memref<128xf32, #tpu.memory_space<hbm>>) dst(%arg13 : memref<128xf32, #tpu.memory_space<vmem>>)
      tpu.yield
    }) : () -> ()
    %barrier3A = arith.constant 0 : index
    tpu.barrier barrier_id(%barrier3A)
    %sub3A = arith.constant 0 : i32
    %sub3A_15 = arith.subi %select_n3A, %sub3A : i32
    %sub3A_16 = arith.constant 1 : i32
    %sub3A_17 = arith.constant 1 : i32
    %sub3A_18 = arith.subi %sub3A_16, %sub3A_17 : i32
    %add3A_19 = arith.addi %sub3A_15, %sub3A_18 : i32
    %div3A = arith.constant 1 : i32
    %div3A_20 = arith.divsi %add3A_19, %div3A : i32
    %while3A = arith.constant 1 : i32
    %while3A_21 = arith.constant 0 : i32
    %while3A_22 = arith.constant 0 : i32
    %while3A_23 = arith.subi %div3A_20, %while3A_22 : i32
    %while3A_24 = arith.addi %while3A_22, %while3A_23 : i32
    %while3A_25 = arith.constant 1 : i32
    %while3A_26 = arith.divsi %while3A_23, %while3A_25 : i32
    %while3A_27 = arith.muli %while3A_26, %while3A_25 : i32
    %while3A_28 = arith.addi %while3A_22, %while3A_27 : i32
    %while3A_29 = arith.constant 1 : i32
    scf.for %while3A_42 = %while3A_22 to %while3A_28 step %while3A_29  : i32 {
      %mul3A_43 = arith.muli %while3A_42, %while3A : i32
      %add3A_44 = arith.addi %while3A_21, %mul3A_43 : i32
      %mul3A_45 = arith.constant 2 : i32
      %mul3A_46 = arith.muli %add3A_44, %mul3A_45 : i32
      %add3A_47 = arith.addi %mul3A_12, %mul3A_46 : i32
      "tpu.region"() ({
        %run_scoped3A_61 = tpu.sem_alloc : memref<!tpu.dma_semaphore, #tpu.memory_space<semaphore_mem>>
        %dma_start3A_62 = arith.constant 0 : i32
        %dma_start3A_63 = tpu.memref_slice %arg3[%add3A_47, %dma_start3A_62] : memref<5024x128xi32, #tpu.memory_space<hbm>> -> memref<2x128xi32, #tpu.memory_space<hbm>>
        %dma_start3A_64 = arith.constant 0 : i32
        %dma_start3A_65 = tpu.memref_slice %arg3[%add3A_47, %dma_start3A_64] : memref<5024x128xi32, #tpu.memory_space<hbm>> -> memref<2x128xi32, #tpu.memory_space<hbm>>
        tpu.enqueue_dma source(%dma_start3A_65 : memref<2x128xi32, #tpu.memory_space<hbm>>) target(%arg11 : memref<2x128xi32, #tpu.memory_space<vmem>>) target_semaphore(%run_scoped3A_61 : memref<!tpu.dma_semaphore, #tpu.memory_space<semaphore_mem>>)
        %dma_wait3A_66 = arith.constant 0 : i32
        %dma_wait3A_67 = tpu.memref_slice %arg3[%add3A_47, %dma_wait3A_66] : memref<5024x128xi32, #tpu.memory_space<hbm>> -> memref<2x128xi32, #tpu.memory_space<hbm>>
        %dma_wait3A_68 = arith.constant 0 : i32
        %dma_wait3A_69 = tpu.memref_slice %arg3[%add3A_47, %dma_wait3A_68] : memref<5024x128xi32, #tpu.memory_space<hbm>> -> memref<2x128xi32, #tpu.memory_space<hbm>>
        tpu.wait_dma2 semaphore(%run_scoped3A_61 : memref<!tpu.dma_semaphore, #tpu.memory_space<semaphore_mem>>) src(%dma_wait3A_69 : memref<2x128xi32, #tpu.memory_space<hbm>>) dst(%arg11 : memref<2x128xi32, #tpu.memory_space<vmem>>)
        tpu.yield
      }) : () -> ()
      %dma_start3A = arith.constant 0 : i32
      %dma_start3A_48 = arith.constant 0 : i32
      %dma_start3A_49 = tpu.memref_slice %arg11[%dma_start3A, %dma_start3A_48] : memref<2x128xi32, #tpu.memory_space<vmem>> -> memref<1x128xi32, #tpu.memory_space<vmem>>
      %dma_start3A_50 = tpu.memref_squeeze %dma_start3A_49 : memref<1x128xi32, #tpu.memory_space<vmem>> -> memref<128xi32, #tpu.memory_space<vmem>>
      %dma_start3A_51 = arith.constant 0 : i32
      %dma_start3A_52 = arith.constant 0 : i32
      %dma_start3A_53 = tpu.memref_slice %arg2[%dma_start3A_51, %dma_start3A_52] : memref<10000x128xf32, #tpu.memory_space<hbm>> -> memref<10000x128xf32, #tpu.memory_space<hbm>>
      tpu.enqueue_indirect_dma source(%dma_start3A_53 : memref<10000x128xf32, #tpu.memory_space<hbm>>) target(%arg12 : memref<128x128xf32, #tpu.memory_space<vmem>>) offsets(%dma_start3A_50 : memref<128xi32, #tpu.memory_space<vmem>>) semaphore(%arg14 : memref<!tpu.dma_semaphore, #tpu.memory_space<semaphore_mem>>)
      %dma_wait3A = arith.constant 0 : i32
      %dma_wait3A_54 = arith.constant 0 : i32
      %dma_wait3A_55 = tpu.memref_slice %arg11[%dma_wait3A, %dma_wait3A_54] : memref<2x128xi32, #tpu.memory_space<vmem>> -> memref<1x128xi32, #tpu.memory_space<vmem>>
      %dma_wait3A_56 = tpu.memref_squeeze %dma_wait3A_55 : memref<1x128xi32, #tpu.memory_space<vmem>> -> memref<128xi32, #tpu.memory_space<vmem>>
      %dma_wait3A_57 = arith.constant 0 : i32
      %dma_wait3A_58 = arith.constant 0 : i32
      %dma_wait3A_59 = tpu.memref_slice %arg2[%dma_wait3A_57, %dma_wait3A_58] : memref<10000x128xf32, #tpu.memory_space<hbm>> -> memref<10000x128xf32, #tpu.memory_space<hbm>>
      tpu.wait_indirect_dma semaphore(%arg14 : memref<!tpu.dma_semaphore, #tpu.memory_space<semaphore_mem>>) src(%dma_wait3A_59 : memref<10000x128xf32, #tpu.memory_space<hbm>>) dst(%arg12 : memref<128x128xf32, #tpu.memory_space<vmem>>)
      %run_scoped3A = arith.constant 1 : i32
      "tpu.region"() ({
        %run_scoped3A_61 = tpu.sem_alloc : memref<!tpu.dma_semaphore, #tpu.memory_space<semaphore_mem>>
        %dma_start3A_62 = arith.constant 0 : i32
        %dma_start3A_63 = tpu.memref_slice %arg11[%run_scoped3A, %dma_start3A_62] : memref<2x128xi32, #tpu.memory_space<vmem>> -> memref<1x128xi32, #tpu.memory_space<vmem>>
        %dma_start3A_64 = tpu.memref_squeeze %dma_start3A_63 : memref<1x128xi32, #tpu.memory_space<vmem>> -> memref<128xi32, #tpu.memory_space<vmem>>
        %dma_start3A_65 = arith.constant 0 : i32
        %dma_start3A_66 = arith.constant 0 : i32
        %dma_start3A_67 = tpu.memref_slice %arg9[%dma_start3A_65, %dma_start3A_66] : memref<10240x128xf32, #tpu.memory_space<vmem_shared>> -> memref<10240x128xf32, #tpu.memory_space<vmem_shared>>
        tpu.enqueue_indirect_dma source(%arg12 : memref<128x128xf32, #tpu.memory_space<vmem>>) target(%dma_start3A_67 : memref<10240x128xf32, #tpu.memory_space<vmem_shared>>) offsets(%dma_start3A_64 : memref<128xi32, #tpu.memory_space<vmem>>) semaphore(%run_scoped3A_61 : memref<!tpu.dma_semaphore, #tpu.memory_space<semaphore_mem>>) {add = true}
        %dma_wait3A_68 = arith.constant 0 : i32
        %dma_wait3A_69 = tpu.memref_slice %arg11[%run_scoped3A, %dma_wait3A_68] : memref<2x128xi32, #tpu.memory_space<vmem>> -> memref<1x128xi32, #tpu.memory_space<vmem>>
        %dma_wait3A_70 = tpu.memref_squeeze %dma_wait3A_69 : memref<1x128xi32, #tpu.memory_space<vmem>> -> memref<128xi32, #tpu.memory_space<vmem>>
        %dma_wait3A_71 = arith.constant 0 : i32
        %dma_wait3A_72 = arith.constant 0 : i32
        %dma_wait3A_73 = tpu.memref_slice %arg9[%dma_wait3A_71, %dma_wait3A_72] : memref<10240x128xf32, #tpu.memory_space<vmem_shared>> -> memref<10240x128xf32, #tpu.memory_space<vmem_shared>>
        tpu.wait_indirect_dma semaphore(%run_scoped3A_61 : memref<!tpu.dma_semaphore, #tpu.memory_space<semaphore_mem>>) src(%arg12 : memref<128x128xf32, #tpu.memory_space<vmem>>) dst(%dma_wait3A_73 : memref<10240x128xf32, #tpu.memory_space<vmem_shared>>)
        tpu.yield
      }) : () -> ()
      %run_scoped3A_60 = arith.constant 1 : i32
      "tpu.region"() ({
        %run_scoped3A_61 = tpu.sem_alloc : memref<!tpu.dma_semaphore, #tpu.memory_space<semaphore_mem>>
        %dma_start3A_62 = arith.constant 0 : i32
        %dma_start3A_63 = tpu.memref_slice %arg11[%run_scoped3A_60, %dma_start3A_62] : memref<2x128xi32, #tpu.memory_space<vmem>> -> memref<1x128xi32, #tpu.memory_space<vmem>>
        %dma_start3A_64 = tpu.memref_squeeze %dma_start3A_63 : memref<1x128xi32, #tpu.memory_space<vmem>> -> memref<128xi32, #tpu.memory_space<vmem>>
        %dma_start3A_65 = arith.constant 0 : i32
        %dma_start3A_66 = tpu.memref_slice %arg10[%dma_start3A_65] : memref<10240xf32, #tpu.memory_space<vmem_shared>> -> memref<10240xf32, #tpu.memory_space<vmem_shared>>
        tpu.enqueue_indirect_dma source(%arg13 : memref<128xf32, #tpu.memory_space<vmem>>) target(%dma_start3A_66 : memref<10240xf32, #tpu.memory_space<vmem_shared>>) offsets(%dma_start3A_64 : memref<128xi32, #tpu.memory_space<vmem>>) semaphore(%run_scoped3A_61 : memref<!tpu.dma_semaphore, #tpu.memory_space<semaphore_mem>>) {add = true}
        %dma_wait3A_67 = arith.constant 0 : i32
        %dma_wait3A_68 = tpu.memref_slice %arg11[%run_scoped3A_60, %dma_wait3A_67] : memref<2x128xi32, #tpu.memory_space<vmem>> -> memref<1x128xi32, #tpu.memory_space<vmem>>
        %dma_wait3A_69 = tpu.memref_squeeze %dma_wait3A_68 : memref<1x128xi32, #tpu.memory_space<vmem>> -> memref<128xi32, #tpu.memory_space<vmem>>
        %dma_wait3A_70 = arith.constant 0 : i32
        %dma_wait3A_71 = tpu.memref_slice %arg10[%dma_wait3A_70] : memref<10240xf32, #tpu.memory_space<vmem_shared>> -> memref<10240xf32, #tpu.memory_space<vmem_shared>>
        tpu.wait_indirect_dma semaphore(%run_scoped3A_61 : memref<!tpu.dma_semaphore, #tpu.memory_space<semaphore_mem>>) src(%arg13 : memref<128xf32, #tpu.memory_space<vmem>>) dst(%dma_wait3A_71 : memref<10240xf32, #tpu.memory_space<vmem_shared>>)
        tpu.yield
      }) : () -> ()
    }
    %while3A_30 = arith.constant 1 : i32
    scf.for %while3A_42 = %while3A_28 to %while3A_24 step %while3A_30  : i32 {
      %mul3A_43 = arith.muli %while3A_42, %while3A : i32
      %add3A_44 = arith.addi %while3A_21, %mul3A_43 : i32
      %mul3A_45 = arith.constant 2 : i32
      %mul3A_46 = arith.muli %add3A_44, %mul3A_45 : i32
      %add3A_47 = arith.addi %mul3A_12, %mul3A_46 : i32
      "tpu.region"() ({
        %run_scoped3A_61 = tpu.sem_alloc : memref<!tpu.dma_semaphore, #tpu.memory_space<semaphore_mem>>
        %dma_start3A_62 = arith.constant 0 : i32
        %dma_start3A_63 = tpu.memref_slice %arg3[%add3A_47, %dma_start3A_62] : memref<5024x128xi32, #tpu.memory_space<hbm>> -> memref<2x128xi32, #tpu.memory_space<hbm>>
        %dma_start3A_64 = arith.constant 0 : i32
        %dma_start3A_65 = tpu.memref_slice %arg3[%add3A_47, %dma_start3A_64] : memref<5024x128xi32, #tpu.memory_space<hbm>> -> memref<2x128xi32, #tpu.memory_space<hbm>>
        tpu.enqueue_dma source(%dma_start3A_65 : memref<2x128xi32, #tpu.memory_space<hbm>>) target(%arg11 : memref<2x128xi32, #tpu.memory_space<vmem>>) target_semaphore(%run_scoped3A_61 : memref<!tpu.dma_semaphore, #tpu.memory_space<semaphore_mem>>)
        %dma_wait3A_66 = arith.constant 0 : i32
        %dma_wait3A_67 = tpu.memref_slice %arg3[%add3A_47, %dma_wait3A_66] : memref<5024x128xi32, #tpu.memory_space<hbm>> -> memref<2x128xi32, #tpu.memory_space<hbm>>
        %dma_wait3A_68 = arith.constant 0 : i32
        %dma_wait3A_69 = tpu.memref_slice %arg3[%add3A_47, %dma_wait3A_68] : memref<5024x128xi32, #tpu.memory_space<hbm>> -> memref<2x128xi32, #tpu.memory_space<hbm>>
        tpu.wait_dma2 semaphore(%run_scoped3A_61 : memref<!tpu.dma_semaphore, #tpu.memory_space<semaphore_mem>>) src(%dma_wait3A_69 : memref<2x128xi32, #tpu.memory_space<hbm>>) dst(%arg11 : memref<2x128xi32, #tpu.memory_space<vmem>>)
        tpu.yield
      }) : () -> ()
      %dma_start3A = arith.constant 0 : i32
      %dma_start3A_48 = arith.constant 0 : i32
      %dma_start3A_49 = tpu.memref_slice %arg11[%dma_start3A, %dma_start3A_48] : memref<2x128xi32, #tpu.memory_space<vmem>> -> memref<1x128xi32, #tpu.memory_space<vmem>>
      %dma_start3A_50 = tpu.memref_squeeze %dma_start3A_49 : memref<1x128xi32, #tpu.memory_space<vmem>> -> memref<128xi32, #tpu.memory_space<vmem>>
      %dma_start3A_51 = arith.constant 0 : i32
      %dma_start3A_52 = arith.constant 0 : i32
      %dma_start3A_53 = tpu.memref_slice %arg2[%dma_start3A_51, %dma_start3A_52] : memref<10000x128xf32, #tpu.memory_space<hbm>> -> memref<10000x128xf32, #tpu.memory_space<hbm>>
      tpu.enqueue_indirect_dma source(%dma_start3A_53 : memref<10000x128xf32, #tpu.memory_space<hbm>>) target(%arg12 : memref<128x128xf32, #tpu.memory_space<vmem>>) offsets(%dma_start3A_50 : memref<128xi32, #tpu.memory_space<vmem>>) semaphore(%arg14 : memref<!tpu.dma_semaphore, #tpu.memory_space<semaphore_mem>>)
      %dma_wait3A = arith.constant 0 : i32
      %dma_wait3A_54 = arith.constant 0 : i32
      %dma_wait3A_55 = tpu.memref_slice %arg11[%dma_wait3A, %dma_wait3A_54] : memref<2x128xi32, #tpu.memory_space<vmem>> -> memref<1x128xi32, #tpu.memory_space<vmem>>
      %dma_wait3A_56 = tpu.memref_squeeze %dma_wait3A_55 : memref<1x128xi32, #tpu.memory_space<vmem>> -> memref<128xi32, #tpu.memory_space<vmem>>
      %dma_wait3A_57 = arith.constant 0 : i32
      %dma_wait3A_58 = arith.constant 0 : i32
      %dma_wait3A_59 = tpu.memref_slice %arg2[%dma_wait3A_57, %dma_wait3A_58] : memref<10000x128xf32, #tpu.memory_space<hbm>> -> memref<10000x128xf32, #tpu.memory_space<hbm>>
      tpu.wait_indirect_dma semaphore(%arg14 : memref<!tpu.dma_semaphore, #tpu.memory_space<semaphore_mem>>) src(%dma_wait3A_59 : memref<10000x128xf32, #tpu.memory_space<hbm>>) dst(%arg12 : memref<128x128xf32, #tpu.memory_space<vmem>>)
      %run_scoped3A = arith.constant 1 : i32
      "tpu.region"() ({
        %run_scoped3A_61 = tpu.sem_alloc : memref<!tpu.dma_semaphore, #tpu.memory_space<semaphore_mem>>
        %dma_start3A_62 = arith.constant 0 : i32
        %dma_start3A_63 = tpu.memref_slice %arg11[%run_scoped3A, %dma_start3A_62] : memref<2x128xi32, #tpu.memory_space<vmem>> -> memref<1x128xi32, #tpu.memory_space<vmem>>
        %dma_start3A_64 = tpu.memref_squeeze %dma_start3A_63 : memref<1x128xi32, #tpu.memory_space<vmem>> -> memref<128xi32, #tpu.memory_space<vmem>>
        %dma_start3A_65 = arith.constant 0 : i32
        %dma_start3A_66 = arith.constant 0 : i32
        %dma_start3A_67 = tpu.memref_slice %arg9[%dma_start3A_65, %dma_start3A_66] : memref<10240x128xf32, #tpu.memory_space<vmem_shared>> -> memref<10240x128xf32, #tpu.memory_space<vmem_shared>>
        tpu.enqueue_indirect_dma source(%arg12 : memref<128x128xf32, #tpu.memory_space<vmem>>) target(%dma_start3A_67 : memref<10240x128xf32, #tpu.memory_space<vmem_shared>>) offsets(%dma_start3A_64 : memref<128xi32, #tpu.memory_space<vmem>>) semaphore(%run_scoped3A_61 : memref<!tpu.dma_semaphore, #tpu.memory_space<semaphore_mem>>) {add = true}
        %dma_wait3A_68 = arith.constant 0 : i32
        %dma_wait3A_69 = tpu.memref_slice %arg11[%run_scoped3A, %dma_wait3A_68] : memref<2x128xi32, #tpu.memory_space<vmem>> -> memref<1x128xi32, #tpu.memory_space<vmem>>
        %dma_wait3A_70 = tpu.memref_squeeze %dma_wait3A_69 : memref<1x128xi32, #tpu.memory_space<vmem>> -> memref<128xi32, #tpu.memory_space<vmem>>
        %dma_wait3A_71 = arith.constant 0 : i32
        %dma_wait3A_72 = arith.constant 0 : i32
        %dma_wait3A_73 = tpu.memref_slice %arg9[%dma_wait3A_71, %dma_wait3A_72] : memref<10240x128xf32, #tpu.memory_space<vmem_shared>> -> memref<10240x128xf32, #tpu.memory_space<vmem_shared>>
        tpu.wait_indirect_dma semaphore(%run_scoped3A_61 : memref<!tpu.dma_semaphore, #tpu.memory_space<semaphore_mem>>) src(%arg12 : memref<128x128xf32, #tpu.memory_space<vmem>>) dst(%dma_wait3A_73 : memref<10240x128xf32, #tpu.memory_space<vmem_shared>>)
        tpu.yield
      }) : () -> ()
      %run_scoped3A_60 = arith.constant 1 : i32
      "tpu.region"() ({
        %run_scoped3A_61 = tpu.sem_alloc : memref<!tpu.dma_semaphore, #tpu.memory_space<semaphore_mem>>
        %dma_start3A_62 = arith.constant 0 : i32
        %dma_start3A_63 = tpu.memref_slice %arg11[%run_scoped3A_60, %dma_start3A_62] : memref<2x128xi32, #tpu.memory_space<vmem>> -> memref<1x128xi32, #tpu.memory_space<vmem>>
        %dma_start3A_64 = tpu.memref_squeeze %dma_start3A_63 : memref<1x128xi32, #tpu.memory_space<vmem>> -> memref<128xi32, #tpu.memory_space<vmem>>
        %dma_start3A_65 = arith.constant 0 : i32
        %dma_start3A_66 = tpu.memref_slice %arg10[%dma_start3A_65] : memref<10240xf32, #tpu.memory_space<vmem_shared>> -> memref<10240xf32, #tpu.memory_space<vmem_shared>>
        tpu.enqueue_indirect_dma source(%arg13 : memref<128xf32, #tpu.memory_space<vmem>>) target(%dma_start3A_66 : memref<10240xf32, #tpu.memory_space<vmem_shared>>) offsets(%dma_start3A_64 : memref<128xi32, #tpu.memory_space<vmem>>) semaphore(%run_scoped3A_61 : memref<!tpu.dma_semaphore, #tpu.memory_space<semaphore_mem>>) {add = true}
        %dma_wait3A_67 = arith.constant 0 : i32
        %dma_wait3A_68 = tpu.memref_slice %arg11[%run_scoped3A_60, %dma_wait3A_67] : memref<2x128xi32, #tpu.memory_space<vmem>> -> memref<1x128xi32, #tpu.memory_space<vmem>>
        %dma_wait3A_69 = tpu.memref_squeeze %dma_wait3A_68 : memref<1x128xi32, #tpu.memory_space<vmem>> -> memref<128xi32, #tpu.memory_space<vmem>>
        %dma_wait3A_70 = arith.constant 0 : i32
        %dma_wait3A_71 = tpu.memref_slice %arg10[%dma_wait3A_70] : memref<10240xf32, #tpu.memory_space<vmem_shared>> -> memref<10240xf32, #tpu.memory_space<vmem_shared>>
        tpu.wait_indirect_dma semaphore(%run_scoped3A_61 : memref<!tpu.dma_semaphore, #tpu.memory_space<semaphore_mem>>) src(%arg13 : memref<128xf32, #tpu.memory_space<vmem>>) dst(%dma_wait3A_71 : memref<10240xf32, #tpu.memory_space<vmem_shared>>)
        tpu.yield
      }) : () -> ()
    }
    %barrier3A_31 = arith.constant 0 : index
    tpu.barrier barrier_id(%barrier3A_31)
    %mul3A_32 = arith.constant 10240 : i32
    %mul3A_33 = arith.muli %arg0, %mul3A_32 : i32
    %add3A_34 = arith.addi %mul3A_33, %mul3A_0 : i32
    "tpu.region"() ({
      %run_scoped3A = tpu.sem_alloc : memref<!tpu.dma_semaphore, #tpu.memory_space<semaphore_mem>>
      %dma_start3A = arith.constant 0 : i32
      %dma_start3A_42 = tpu.memref_slice %arg7[%add3A_34, %dma_start3A] : memref<20480x128xf32, #tpu.memory_space<hbm>> -> memref<640x128xf32, #tpu.memory_space<hbm>>
      %dma_start3A_43 = arith.constant 0 : i32
      %dma_start3A_44 = tpu.memref_slice %arg9[%mul3A_0, %dma_start3A_43] : memref<10240x128xf32, #tpu.memory_space<vmem_shared>> -> memref<640x128xf32, #tpu.memory_space<vmem_shared>>
      tpu.enqueue_dma source(%dma_start3A_44 : memref<640x128xf32, #tpu.memory_space<vmem_shared>>) target(%dma_start3A_42 : memref<640x128xf32, #tpu.memory_space<hbm>>) target_semaphore(%run_scoped3A : memref<!tpu.dma_semaphore, #tpu.memory_space<semaphore_mem>>)
      %dma_wait3A = arith.constant 0 : i32
      %dma_wait3A_45 = tpu.memref_slice %arg7[%add3A_34, %dma_wait3A] : memref<20480x128xf32, #tpu.memory_space<hbm>> -> memref<640x128xf32, #tpu.memory_space<hbm>>
      %dma_wait3A_46 = arith.constant 0 : i32
      %dma_wait3A_47 = tpu.memref_slice %arg9[%mul3A_0, %dma_wait3A_46] : memref<10240x128xf32, #tpu.memory_space<vmem_shared>> -> memref<640x128xf32, #tpu.memory_space<vmem_shared>>
      tpu.wait_dma2 semaphore(%run_scoped3A : memref<!tpu.dma_semaphore, #tpu.memory_space<semaphore_mem>>) src(%dma_wait3A_47 : memref<640x128xf32, #tpu.memory_space<vmem_shared>>) dst(%dma_wait3A_45 : memref<640x128xf32, #tpu.memory_space<hbm>>)
      tpu.yield
    }) : () -> ()
    %mul3A_35 = arith.constant 640 : i32
    %mul3A_36 = arith.muli %arg1, %mul3A_35 : i32
    %mul3A_37 = arith.constant 10240 : i32
    %mul3A_38 = arith.muli %arg0, %mul3A_37 : i32
    %mul3A_39 = arith.constant 640 : i32
    %mul3A_40 = arith.muli %arg1, %mul3A_39 : i32
    %add3A_41 = arith.addi %mul3A_38, %mul3A_40 : i32
    "tpu.region"() ({
      %run_scoped3A = tpu.sem_alloc : memref<!tpu.dma_semaphore, #tpu.memory_space<semaphore_mem>>
      %dma_start3A = tpu.memref_slice %arg8[%add3A_41] : memref<20480xf32, #tpu.memory_space<hbm>> -> memref<640xf32, #tpu.memory_space<hbm>>
      %dma_start3A_42 = tpu.memref_slice %arg10[%mul3A_36] : memref<10240xf32, #tpu.memory_space<vmem_shared>> -> memref<640xf32, #tpu.memory_space<vmem_shared>>
      tpu.enqueue_dma source(%dma_start3A_42 : memref<640xf32, #tpu.memory_space<vmem_shared>>) target(%dma_start3A : memref<640xf32, #tpu.memory_space<hbm>>) target_semaphore(%run_scoped3A : memref<!tpu.dma_semaphore, #tpu.memory_space<semaphore_mem>>)
      %dma_wait3A = tpu.memref_slice %arg8[%add3A_41] : memref<20480xf32, #tpu.memory_space<hbm>> -> memref<640xf32, #tpu.memory_space<hbm>>
      %dma_wait3A_43 = tpu.memref_slice %arg10[%mul3A_36] : memref<10240xf32, #tpu.memory_space<vmem_shared>> -> memref<640xf32, #tpu.memory_space<vmem_shared>>
      tpu.wait_dma2 semaphore(%run_scoped3A : memref<!tpu.dma_semaphore, #tpu.memory_space<semaphore_mem>>) src(%dma_wait3A_43 : memref<640xf32, #tpu.memory_space<vmem_shared>>) dst(%dma_wait3A : memref<640xf32, #tpu.memory_space<hbm>>)
      tpu.yield
    }) : () -> ()
    return
  }
}

#map = affine_map<(d0, d1) -> (0, 0)>
#map1 = affine_map<(d0, d1) -> (0)>
module attributes {stable_mosaic.version = 14 : i64} {
  func.func @body(%arg0: i32, %arg1: i32, %arg2: memref<10000x128xf32, #tpu.memory_space<hbm>>, %arg3: memref<5024x128xi32, #tpu.memory_space<hbm>>, %arg4: memref<640x128xf32, #tpu.memory_space<hbm>>, %arg5: memref<640xf32, #tpu.memory_space<hbm>>, %arg6: memref<128xf32, #tpu.memory_space<hbm>>, %arg7: memref<20480x128xf32, #tpu.memory_space<hbm>>, %arg8: memref<10240x128xf32, #tpu.memory_space<vmem_shared>>, %arg9: memref<10240xf32, #tpu.memory_space<vmem_shared>>, %arg10: memref<2x128xi32, #tpu.memory_space<vmem>>, %arg11: memref<128x128xf32, #tpu.memory_space<vmem>>, %arg12: memref<128xf32, #tpu.memory_space<vmem>>, %arg13: memref<!tpu.dma_semaphore, #tpu.memory_space<semaphore_mem>>) attributes {dimension_semantics = [#tpu.dimension_semantics<core_parallel>, #tpu.dimension_semantics<subcore_parallel>], iteration_bounds = array<i64: 2, 16>, scalar_prefetch = 0 : i64, scratch_operands = 6 : i64, tpu.core_type = #tpu.core_type<sc_vector_subcore>, window_params = [{transform_indices = #map}, {transform_indices = #map}, {transform_indices = #map}, {transform_indices = #map1}, {transform_indices = #map1}, {transform_indices = #map}]} {
    %mul3A = arith.constant 640 : i32
    %mul3A_0 = arith.muli %arg1, %mul3A : i32
    %eq3A = arith.constant 0 : i32
    %eq3A_1 = arith.cmpi eq, %arg0, %eq3A : i32
    %jit3A = arith.constant 90 : i32
    %jit3A_2 = arith.constant 67 : i32
    %select_n3A = arith.select %eq3A_1, %jit3A, %jit3A_2 : i32
    %eq3A_3 = arith.constant 0 : i32
    %eq3A_4 = arith.cmpi eq, %arg0, %eq3A_3 : i32
    %mul3A_5 = arith.constant 90 : i32
    %mul3A_6 = arith.muli %arg1, %mul3A_5 : i32
    %mul3A_7 = arith.constant 67 : i32
    %mul3A_8 = arith.muli %arg1, %mul3A_7 : i32
    %add3A = arith.constant 1440 : i32
    %add3A_9 = arith.addi %add3A, %mul3A_8 : i32
    %select_n3A_10 = arith.select %eq3A_4, %mul3A_6, %add3A_9 : i32
    %mul3A_11 = arith.constant 2 : i32
    %mul3A_12 = arith.muli %select_n3A_10, %mul3A_11 : i32
    "tpu.region"() ({
      %run_scoped3A = tpu.sem_alloc : memref<!tpu.dma_semaphore, #tpu.memory_space<semaphore_mem>>
      %dma_start3A = arith.constant 0 : i32
      %dma_start3A_35 = tpu.memref_slice %arg8[%mul3A_0, %dma_start3A] : memref<10240x128xf32, #tpu.memory_space<vmem_shared>> -> memref<640x128xf32, #tpu.memory_space<vmem_shared>>
      tpu.enqueue_dma source(%arg4 : memref<640x128xf32, #tpu.memory_space<hbm>>) target(%dma_start3A_35 : memref<640x128xf32, #tpu.memory_space<vmem_shared>>) target_semaphore(%run_scoped3A : memref<!tpu.dma_semaphore, #tpu.memory_space<semaphore_mem>>)
      %dma_wait3A = arith.constant 0 : i32
      %dma_wait3A_36 = tpu.memref_slice %arg8[%mul3A_0, %dma_wait3A] : memref<10240x128xf32, #tpu.memory_space<vmem_shared>> -> memref<640x128xf32, #tpu.memory_space<vmem_shared>>
      tpu.wait_dma2 semaphore(%run_scoped3A : memref<!tpu.dma_semaphore, #tpu.memory_space<semaphore_mem>>) src(%arg4 : memref<640x128xf32, #tpu.memory_space<hbm>>) dst(%dma_wait3A_36 : memref<640x128xf32, #tpu.memory_space<vmem_shared>>)
      tpu.yield
    }) : () -> ()
    %mul3A_13 = arith.constant 640 : i32
    %mul3A_14 = arith.muli %arg1, %mul3A_13 : i32
    "tpu.region"() ({
      %run_scoped3A = tpu.sem_alloc : memref<!tpu.dma_semaphore, #tpu.memory_space<semaphore_mem>>
      %dma_start3A = tpu.memref_slice %arg9[%mul3A_14] : memref<10240xf32, #tpu.memory_space<vmem_shared>> -> memref<640xf32, #tpu.memory_space<vmem_shared>>
      tpu.enqueue_dma source(%arg5 : memref<640xf32, #tpu.memory_space<hbm>>) target(%dma_start3A : memref<640xf32, #tpu.memory_space<vmem_shared>>) target_semaphore(%run_scoped3A : memref<!tpu.dma_semaphore, #tpu.memory_space<semaphore_mem>>)
      %dma_wait3A = tpu.memref_slice %arg9[%mul3A_14] : memref<10240xf32, #tpu.memory_space<vmem_shared>> -> memref<640xf32, #tpu.memory_space<vmem_shared>>
      tpu.wait_dma2 semaphore(%run_scoped3A : memref<!tpu.dma_semaphore, #tpu.memory_space<semaphore_mem>>) src(%arg5 : memref<640xf32, #tpu.memory_space<hbm>>) dst(%dma_wait3A : memref<640xf32, #tpu.memory_space<vmem_shared>>)
      tpu.yield
    }) : () -> ()
    "tpu.region"() ({
      %run_scoped3A = tpu.sem_alloc : memref<!tpu.dma_semaphore, #tpu.memory_space<semaphore_mem>>
      tpu.enqueue_dma source(%arg6 : memref<128xf32, #tpu.memory_space<hbm>>) target(%arg12 : memref<128xf32, #tpu.memory_space<vmem>>) target_semaphore(%run_scoped3A : memref<!tpu.dma_semaphore, #tpu.memory_space<semaphore_mem>>)
      tpu.wait_dma2 semaphore(%run_scoped3A : memref<!tpu.dma_semaphore, #tpu.memory_space<semaphore_mem>>) src(%arg6 : memref<128xf32, #tpu.memory_space<hbm>>) dst(%arg12 : memref<128xf32, #tpu.memory_space<vmem>>)
      tpu.yield
    }) : () -> ()
    %barrier3A = arith.constant 0 : index
    tpu.barrier barrier_id(%barrier3A)
    %sub3A = arith.constant 0 : i32
    %sub3A_15 = arith.subi %select_n3A, %sub3A : i32
    %sub3A_16 = arith.constant 1 : i32
    %sub3A_17 = arith.constant 1 : i32
    %sub3A_18 = arith.subi %sub3A_16, %sub3A_17 : i32
    %add3A_19 = arith.addi %sub3A_15, %sub3A_18 : i32
    %div3A = arith.constant 1 : i32
    %div3A_20 = arith.divsi %add3A_19, %div3A : i32
    %while3A = arith.constant 1 : i32
    %while3A_21 = arith.constant 0 : i32
    %while3A_22 = arith.constant 0 : i32
    %while3A_23 = arith.subi %div3A_20, %while3A_22 : i32
    %while3A_24 = arith.addi %while3A_22, %while3A_23 : i32
    %while3A_25 = arith.constant 1 : i32
    %while3A_26 = arith.divsi %while3A_23, %while3A_25 : i32
    %while3A_27 = arith.muli %while3A_26, %while3A_25 : i32
    %while3A_28 = arith.addi %while3A_22, %while3A_27 : i32
    %while3A_29 = arith.constant 1 : i32
    scf.for %while3A_35 = %while3A_22 to %while3A_28 step %while3A_29  : i32 {
      %mul3A_36 = arith.muli %while3A_35, %while3A : i32
      %add3A_37 = arith.addi %while3A_21, %mul3A_36 : i32
      %mul3A_38 = arith.constant 2 : i32
      %mul3A_39 = arith.muli %add3A_37, %mul3A_38 : i32
      %add3A_40 = arith.addi %mul3A_12, %mul3A_39 : i32
      "tpu.region"() ({
        %run_scoped3A_53 = tpu.sem_alloc : memref<!tpu.dma_semaphore, #tpu.memory_space<semaphore_mem>>
        %dma_start3A_54 = arith.constant 0 : i32
        %dma_start3A_55 = tpu.memref_slice %arg3[%add3A_40, %dma_start3A_54] : memref<5024x128xi32, #tpu.memory_space<hbm>> -> memref<2x128xi32, #tpu.memory_space<hbm>>
        %dma_start3A_56 = arith.constant 0 : i32
        %dma_start3A_57 = tpu.memref_slice %arg3[%add3A_40, %dma_start3A_56] : memref<5024x128xi32, #tpu.memory_space<hbm>> -> memref<2x128xi32, #tpu.memory_space<hbm>>
        tpu.enqueue_dma source(%dma_start3A_57 : memref<2x128xi32, #tpu.memory_space<hbm>>) target(%arg10 : memref<2x128xi32, #tpu.memory_space<vmem>>) target_semaphore(%run_scoped3A_53 : memref<!tpu.dma_semaphore, #tpu.memory_space<semaphore_mem>>)
        %dma_wait3A_58 = arith.constant 0 : i32
        %dma_wait3A_59 = tpu.memref_slice %arg3[%add3A_40, %dma_wait3A_58] : memref<5024x128xi32, #tpu.memory_space<hbm>> -> memref<2x128xi32, #tpu.memory_space<hbm>>
        %dma_wait3A_60 = arith.constant 0 : i32
        %dma_wait3A_61 = tpu.memref_slice %arg3[%add3A_40, %dma_wait3A_60] : memref<5024x128xi32, #tpu.memory_space<hbm>> -> memref<2x128xi32, #tpu.memory_space<hbm>>
        tpu.wait_dma2 semaphore(%run_scoped3A_53 : memref<!tpu.dma_semaphore, #tpu.memory_space<semaphore_mem>>) src(%dma_wait3A_61 : memref<2x128xi32, #tpu.memory_space<hbm>>) dst(%arg10 : memref<2x128xi32, #tpu.memory_space<vmem>>)
        tpu.yield
      }) : () -> ()
      %dma_start3A = arith.constant 0 : i32
      %dma_start3A_41 = arith.constant 0 : i32
      %dma_start3A_42 = tpu.memref_slice %arg10[%dma_start3A, %dma_start3A_41] : memref<2x128xi32, #tpu.memory_space<vmem>> -> memref<1x128xi32, #tpu.memory_space<vmem>>
      %dma_start3A_43 = tpu.memref_squeeze %dma_start3A_42 : memref<1x128xi32, #tpu.memory_space<vmem>> -> memref<128xi32, #tpu.memory_space<vmem>>
      %dma_start3A_44 = arith.constant 0 : i32
      %dma_start3A_45 = arith.constant 0 : i32
      %dma_start3A_46 = tpu.memref_slice %arg2[%dma_start3A_44, %dma_start3A_45] : memref<10000x128xf32, #tpu.memory_space<hbm>> -> memref<10000x128xf32, #tpu.memory_space<hbm>>
      tpu.enqueue_indirect_dma source(%dma_start3A_46 : memref<10000x128xf32, #tpu.memory_space<hbm>>) target(%arg11 : memref<128x128xf32, #tpu.memory_space<vmem>>) offsets(%dma_start3A_43 : memref<128xi32, #tpu.memory_space<vmem>>) semaphore(%arg13 : memref<!tpu.dma_semaphore, #tpu.memory_space<semaphore_mem>>)
      %dma_wait3A = arith.constant 0 : i32
      %dma_wait3A_47 = arith.constant 0 : i32
      %dma_wait3A_48 = tpu.memref_slice %arg10[%dma_wait3A, %dma_wait3A_47] : memref<2x128xi32, #tpu.memory_space<vmem>> -> memref<1x128xi32, #tpu.memory_space<vmem>>
      %dma_wait3A_49 = tpu.memref_squeeze %dma_wait3A_48 : memref<1x128xi32, #tpu.memory_space<vmem>> -> memref<128xi32, #tpu.memory_space<vmem>>
      %dma_wait3A_50 = arith.constant 0 : i32
      %dma_wait3A_51 = arith.constant 0 : i32
      %dma_wait3A_52 = tpu.memref_slice %arg2[%dma_wait3A_50, %dma_wait3A_51] : memref<10000x128xf32, #tpu.memory_space<hbm>> -> memref<10000x128xf32, #tpu.memory_space<hbm>>
      tpu.wait_indirect_dma semaphore(%arg13 : memref<!tpu.dma_semaphore, #tpu.memory_space<semaphore_mem>>) src(%dma_wait3A_52 : memref<10000x128xf32, #tpu.memory_space<hbm>>) dst(%arg11 : memref<128x128xf32, #tpu.memory_space<vmem>>)
      %run_scoped3A = arith.constant 1 : i32
      "tpu.region"() ({
        %run_scoped3A_53 = tpu.sem_alloc : memref<!tpu.dma_semaphore, #tpu.memory_space<semaphore_mem>>
        %dma_start3A_54 = arith.constant 0 : i32
        %dma_start3A_55 = tpu.memref_slice %arg10[%run_scoped3A, %dma_start3A_54] : memref<2x128xi32, #tpu.memory_space<vmem>> -> memref<1x128xi32, #tpu.memory_space<vmem>>
        %dma_start3A_56 = tpu.memref_squeeze %dma_start3A_55 : memref<1x128xi32, #tpu.memory_space<vmem>> -> memref<128xi32, #tpu.memory_space<vmem>>
        %dma_start3A_57 = arith.constant 0 : i32
        %dma_start3A_58 = arith.constant 0 : i32
        %dma_start3A_59 = tpu.memref_slice %arg8[%dma_start3A_57, %dma_start3A_58] : memref<10240x128xf32, #tpu.memory_space<vmem_shared>> -> memref<10240x128xf32, #tpu.memory_space<vmem_shared>>
        tpu.enqueue_indirect_dma source(%arg11 : memref<128x128xf32, #tpu.memory_space<vmem>>) target(%dma_start3A_59 : memref<10240x128xf32, #tpu.memory_space<vmem_shared>>) offsets(%dma_start3A_56 : memref<128xi32, #tpu.memory_space<vmem>>) semaphore(%run_scoped3A_53 : memref<!tpu.dma_semaphore, #tpu.memory_space<semaphore_mem>>) {add = true}
        %dma_wait3A_60 = arith.constant 0 : i32
        %dma_wait3A_61 = tpu.memref_slice %arg10[%run_scoped3A, %dma_wait3A_60] : memref<2x128xi32, #tpu.memory_space<vmem>> -> memref<1x128xi32, #tpu.memory_space<vmem>>
        %dma_wait3A_62 = tpu.memref_squeeze %dma_wait3A_61 : memref<1x128xi32, #tpu.memory_space<vmem>> -> memref<128xi32, #tpu.memory_space<vmem>>
        %dma_wait3A_63 = arith.constant 0 : i32
        %dma_wait3A_64 = arith.constant 0 : i32
        %dma_wait3A_65 = tpu.memref_slice %arg8[%dma_wait3A_63, %dma_wait3A_64] : memref<10240x128xf32, #tpu.memory_space<vmem_shared>> -> memref<10240x128xf32, #tpu.memory_space<vmem_shared>>
        tpu.wait_indirect_dma semaphore(%run_scoped3A_53 : memref<!tpu.dma_semaphore, #tpu.memory_space<semaphore_mem>>) src(%arg11 : memref<128x128xf32, #tpu.memory_space<vmem>>) dst(%dma_wait3A_65 : memref<10240x128xf32, #tpu.memory_space<vmem_shared>>)
        tpu.yield
      }) : () -> ()
    }
    %while3A_30 = arith.constant 1 : i32
    scf.for %while3A_35 = %while3A_28 to %while3A_24 step %while3A_30  : i32 {
      %mul3A_36 = arith.muli %while3A_35, %while3A : i32
      %add3A_37 = arith.addi %while3A_21, %mul3A_36 : i32
      %mul3A_38 = arith.constant 2 : i32
      %mul3A_39 = arith.muli %add3A_37, %mul3A_38 : i32
      %add3A_40 = arith.addi %mul3A_12, %mul3A_39 : i32
      "tpu.region"() ({
        %run_scoped3A_53 = tpu.sem_alloc : memref<!tpu.dma_semaphore, #tpu.memory_space<semaphore_mem>>
        %dma_start3A_54 = arith.constant 0 : i32
        %dma_start3A_55 = tpu.memref_slice %arg3[%add3A_40, %dma_start3A_54] : memref<5024x128xi32, #tpu.memory_space<hbm>> -> memref<2x128xi32, #tpu.memory_space<hbm>>
        %dma_start3A_56 = arith.constant 0 : i32
        %dma_start3A_57 = tpu.memref_slice %arg3[%add3A_40, %dma_start3A_56] : memref<5024x128xi32, #tpu.memory_space<hbm>> -> memref<2x128xi32, #tpu.memory_space<hbm>>
        tpu.enqueue_dma source(%dma_start3A_57 : memref<2x128xi32, #tpu.memory_space<hbm>>) target(%arg10 : memref<2x128xi32, #tpu.memory_space<vmem>>) target_semaphore(%run_scoped3A_53 : memref<!tpu.dma_semaphore, #tpu.memory_space<semaphore_mem>>)
        %dma_wait3A_58 = arith.constant 0 : i32
        %dma_wait3A_59 = tpu.memref_slice %arg3[%add3A_40, %dma_wait3A_58] : memref<5024x128xi32, #tpu.memory_space<hbm>> -> memref<2x128xi32, #tpu.memory_space<hbm>>
        %dma_wait3A_60 = arith.constant 0 : i32
        %dma_wait3A_61 = tpu.memref_slice %arg3[%add3A_40, %dma_wait3A_60] : memref<5024x128xi32, #tpu.memory_space<hbm>> -> memref<2x128xi32, #tpu.memory_space<hbm>>
        tpu.wait_dma2 semaphore(%run_scoped3A_53 : memref<!tpu.dma_semaphore, #tpu.memory_space<semaphore_mem>>) src(%dma_wait3A_61 : memref<2x128xi32, #tpu.memory_space<hbm>>) dst(%arg10 : memref<2x128xi32, #tpu.memory_space<vmem>>)
        tpu.yield
      }) : () -> ()
      %dma_start3A = arith.constant 0 : i32
      %dma_start3A_41 = arith.constant 0 : i32
      %dma_start3A_42 = tpu.memref_slice %arg10[%dma_start3A, %dma_start3A_41] : memref<2x128xi32, #tpu.memory_space<vmem>> -> memref<1x128xi32, #tpu.memory_space<vmem>>
      %dma_start3A_43 = tpu.memref_squeeze %dma_start3A_42 : memref<1x128xi32, #tpu.memory_space<vmem>> -> memref<128xi32, #tpu.memory_space<vmem>>
      %dma_start3A_44 = arith.constant 0 : i32
      %dma_start3A_45 = arith.constant 0 : i32
      %dma_start3A_46 = tpu.memref_slice %arg2[%dma_start3A_44, %dma_start3A_45] : memref<10000x128xf32, #tpu.memory_space<hbm>> -> memref<10000x128xf32, #tpu.memory_space<hbm>>
      tpu.enqueue_indirect_dma source(%dma_start3A_46 : memref<10000x128xf32, #tpu.memory_space<hbm>>) target(%arg11 : memref<128x128xf32, #tpu.memory_space<vmem>>) offsets(%dma_start3A_43 : memref<128xi32, #tpu.memory_space<vmem>>) semaphore(%arg13 : memref<!tpu.dma_semaphore, #tpu.memory_space<semaphore_mem>>)
      %dma_wait3A = arith.constant 0 : i32
      %dma_wait3A_47 = arith.constant 0 : i32
      %dma_wait3A_48 = tpu.memref_slice %arg10[%dma_wait3A, %dma_wait3A_47] : memref<2x128xi32, #tpu.memory_space<vmem>> -> memref<1x128xi32, #tpu.memory_space<vmem>>
      %dma_wait3A_49 = tpu.memref_squeeze %dma_wait3A_48 : memref<1x128xi32, #tpu.memory_space<vmem>> -> memref<128xi32, #tpu.memory_space<vmem>>
      %dma_wait3A_50 = arith.constant 0 : i32
      %dma_wait3A_51 = arith.constant 0 : i32
      %dma_wait3A_52 = tpu.memref_slice %arg2[%dma_wait3A_50, %dma_wait3A_51] : memref<10000x128xf32, #tpu.memory_space<hbm>> -> memref<10000x128xf32, #tpu.memory_space<hbm>>
      tpu.wait_indirect_dma semaphore(%arg13 : memref<!tpu.dma_semaphore, #tpu.memory_space<semaphore_mem>>) src(%dma_wait3A_52 : memref<10000x128xf32, #tpu.memory_space<hbm>>) dst(%arg11 : memref<128x128xf32, #tpu.memory_space<vmem>>)
      %run_scoped3A = arith.constant 1 : i32
      "tpu.region"() ({
        %run_scoped3A_53 = tpu.sem_alloc : memref<!tpu.dma_semaphore, #tpu.memory_space<semaphore_mem>>
        %dma_start3A_54 = arith.constant 0 : i32
        %dma_start3A_55 = tpu.memref_slice %arg10[%run_scoped3A, %dma_start3A_54] : memref<2x128xi32, #tpu.memory_space<vmem>> -> memref<1x128xi32, #tpu.memory_space<vmem>>
        %dma_start3A_56 = tpu.memref_squeeze %dma_start3A_55 : memref<1x128xi32, #tpu.memory_space<vmem>> -> memref<128xi32, #tpu.memory_space<vmem>>
        %dma_start3A_57 = arith.constant 0 : i32
        %dma_start3A_58 = arith.constant 0 : i32
        %dma_start3A_59 = tpu.memref_slice %arg8[%dma_start3A_57, %dma_start3A_58] : memref<10240x128xf32, #tpu.memory_space<vmem_shared>> -> memref<10240x128xf32, #tpu.memory_space<vmem_shared>>
        tpu.enqueue_indirect_dma source(%arg11 : memref<128x128xf32, #tpu.memory_space<vmem>>) target(%dma_start3A_59 : memref<10240x128xf32, #tpu.memory_space<vmem_shared>>) offsets(%dma_start3A_56 : memref<128xi32, #tpu.memory_space<vmem>>) semaphore(%run_scoped3A_53 : memref<!tpu.dma_semaphore, #tpu.memory_space<semaphore_mem>>) {add = true}
        %dma_wait3A_60 = arith.constant 0 : i32
        %dma_wait3A_61 = tpu.memref_slice %arg10[%run_scoped3A, %dma_wait3A_60] : memref<2x128xi32, #tpu.memory_space<vmem>> -> memref<1x128xi32, #tpu.memory_space<vmem>>
        %dma_wait3A_62 = tpu.memref_squeeze %dma_wait3A_61 : memref<1x128xi32, #tpu.memory_space<vmem>> -> memref<128xi32, #tpu.memory_space<vmem>>
        %dma_wait3A_63 = arith.constant 0 : i32
        %dma_wait3A_64 = arith.constant 0 : i32
        %dma_wait3A_65 = tpu.memref_slice %arg8[%dma_wait3A_63, %dma_wait3A_64] : memref<10240x128xf32, #tpu.memory_space<vmem_shared>> -> memref<10240x128xf32, #tpu.memory_space<vmem_shared>>
        tpu.wait_indirect_dma semaphore(%run_scoped3A_53 : memref<!tpu.dma_semaphore, #tpu.memory_space<semaphore_mem>>) src(%arg11 : memref<128x128xf32, #tpu.memory_space<vmem>>) dst(%dma_wait3A_65 : memref<10240x128xf32, #tpu.memory_space<vmem_shared>>)
        tpu.yield
      }) : () -> ()
    }
    %barrier3A_31 = arith.constant 0 : index
    tpu.barrier barrier_id(%barrier3A_31)
    %mul3A_32 = arith.constant 10240 : i32
    %mul3A_33 = arith.muli %arg0, %mul3A_32 : i32
    %add3A_34 = arith.addi %mul3A_33, %mul3A_0 : i32
    "tpu.region"() ({
      %run_scoped3A = tpu.sem_alloc : memref<!tpu.dma_semaphore, #tpu.memory_space<semaphore_mem>>
      %dma_start3A = arith.constant 0 : i32
      %dma_start3A_35 = tpu.memref_slice %arg7[%add3A_34, %dma_start3A] : memref<20480x128xf32, #tpu.memory_space<hbm>> -> memref<640x128xf32, #tpu.memory_space<hbm>>
      %dma_start3A_36 = arith.constant 0 : i32
      %dma_start3A_37 = tpu.memref_slice %arg8[%mul3A_0, %dma_start3A_36] : memref<10240x128xf32, #tpu.memory_space<vmem_shared>> -> memref<640x128xf32, #tpu.memory_space<vmem_shared>>
      tpu.enqueue_dma source(%dma_start3A_37 : memref<640x128xf32, #tpu.memory_space<vmem_shared>>) target(%dma_start3A_35 : memref<640x128xf32, #tpu.memory_space<hbm>>) target_semaphore(%run_scoped3A : memref<!tpu.dma_semaphore, #tpu.memory_space<semaphore_mem>>)
      %dma_wait3A = arith.constant 0 : i32
      %dma_wait3A_38 = tpu.memref_slice %arg7[%add3A_34, %dma_wait3A] : memref<20480x128xf32, #tpu.memory_space<hbm>> -> memref<640x128xf32, #tpu.memory_space<hbm>>
      %dma_wait3A_39 = arith.constant 0 : i32
      %dma_wait3A_40 = tpu.memref_slice %arg8[%mul3A_0, %dma_wait3A_39] : memref<10240x128xf32, #tpu.memory_space<vmem_shared>> -> memref<640x128xf32, #tpu.memory_space<vmem_shared>>
      tpu.wait_dma2 semaphore(%run_scoped3A : memref<!tpu.dma_semaphore, #tpu.memory_space<semaphore_mem>>) src(%dma_wait3A_40 : memref<640x128xf32, #tpu.memory_space<vmem_shared>>) dst(%dma_wait3A_38 : memref<640x128xf32, #tpu.memory_space<hbm>>)
      tpu.yield
    }) : () -> ()
    return
  }
}

module attributes {stable_mosaic.version = 14 : i64} {
  func.func @_dense_body(%arg0: i32, %arg1: memref<1000x128xf32, #tpu.memory_space<vmem>>, %arg2: memref<1000x128xf32, #tpu.memory_space<vmem>>, %arg3: memref<1000x2xf32, #tpu.memory_space<vmem>>, %arg4: memref<1000x128xf32, #tpu.memory_space<vmem>>, %arg5: memref<128x128xf32, #tpu.memory_space<vmem>>, %arg6: memref<1x128xf32, #tpu.memory_space<vmem>>, %arg7: memref<128x128xf32, #tpu.memory_space<vmem>>, %arg8: memref<1000x128xf32, #tpu.memory_space<vmem>>) attributes {dimension_semantics = [#tpu.dimension_semantics<arbitrary>], iteration_bounds = array<i64: 10>, scalar_prefetch = 0 : i64, scratch_operands = 0 : i64, tpu.core_type = #tpu.core_type<tc>, window_params = [{transform_indices = @transform_0, window_bounds = array<i64: 1000, 128>}, {transform_indices = @transform_1, window_bounds = array<i64: 1000, 128>}, {transform_indices = @transform_2, window_bounds = array<i64: 1000, 2>}, {transform_indices = @transform_3, window_bounds = array<i64: 1000, 128>}, {pipeline_mode = #tpu.pipeline_mode<synchronous>, transform_indices = @transform_4, window_bounds = array<i64: 128, 128>}, {pipeline_mode = #tpu.pipeline_mode<synchronous>, transform_indices = @transform_5, window_bounds = array<i64: 1, 128>}, {pipeline_mode = #tpu.pipeline_mode<synchronous>, transform_indices = @transform_6, window_bounds = array<i64: 128, 128>}, {transform_indices = @transform_7, window_bounds = array<i64: 1000, 128>}]} {
    %get3A = arith.constant 0 : index
    %get3A_0 = arith.constant 0 : index
    %get3A_1 = vector.load %arg3[%get3A, %get3A_0] : memref<1000x2xf32, #tpu.memory_space<vmem>>, vector<1000x1xf32>
    %get3A_2 = vector.shape_cast %get3A_1 : vector<1000x1xf32> to vector<1000xf32>
    %get3A_3 = arith.constant 0 : index
    %get3A_4 = arith.constant 1 : index
    %get3A_5 = vector.load %arg3[%get3A_3, %get3A_4] : memref<1000x2xf32, #tpu.memory_space<vmem>>, vector<1000x1xf32>
    %get3A_6 = vector.shape_cast %get3A_5 : vector<1000x1xf32> to vector<1000xf32>
    %add3A = arith.addf %get3A_2, %get3A_6 : vector<1000xf32>
    %max3A = arith.constant 1.000000e+00 : f32
    %max3A_7 = vector.broadcast %max3A : f32 to vector<1000xf32>
    %max3A_8 = arith.maximumf %add3A, %max3A_7 : vector<1000xf32>
    %div3A = arith.constant 1.000000e+00 : f32
    %div3A_9 = vector.broadcast %div3A : f32 to vector<1000xf32>
    %div3A_10 = arith.divf %div3A_9, %max3A_8 : vector<1000xf32>
    %get3A_11 = arith.constant 0 : index
    %get3A_12 = arith.constant 0 : index
    %get3A_13 = vector.load %arg1[%get3A_11, %get3A_12] : memref<1000x128xf32, #tpu.memory_space<vmem>>, vector<1000x128xf32>
    %get3A_14 = arith.constant 0 : index
    %get3A_15 = arith.constant 0 : index
    %get3A_16 = vector.load %arg2[%get3A_14, %get3A_15] : memref<1000x128xf32, #tpu.memory_space<vmem>>, vector<1000x128xf32>
    %add3A_17 = arith.addf %get3A_13, %get3A_16 : vector<1000x128xf32>
    %broadcast_in_dim3A = vector.shape_cast %div3A_10 : vector<1000xf32> to vector<1000x1xf32>
    %mul3A = vector.broadcast %broadcast_in_dim3A : vector<1000x1xf32> to vector<1000x128xf32>
    %mul3A_18 = arith.mulf %add3A_17, %mul3A : vector<1000x128xf32>
    %get3A_19 = arith.constant 0 : index
    %get3A_20 = arith.constant 0 : index
    %get3A_21 = vector.load %arg5[%get3A_19, %get3A_20] : memref<128x128xf32, #tpu.memory_space<vmem>>, vector<128x128xf32>
    %dot_general3A = arith.constant dense<0.000000e+00> : vector<1000x128xf32>
    %dot_general3A_22 = tpu.matmul %mul3A_18, %get3A_21, %dot_general3A {dimension_numbers = #tpu.dot_dimension_numbers<[1], [0], [0], [1], [0, 0, 1, 1], [], []>, transpose_lhs_hint = false} : vector<1000x128xf32>, vector<128x128xf32>, vector<1000x128xf32> -> vector<1000x128xf32>
    %get3A_23 = arith.constant 0 : index
    %get3A_24 = arith.constant 0 : index
    %get3A_25 = vector.load %arg4[%get3A_23, %get3A_24] : memref<1000x128xf32, #tpu.memory_space<vmem>>, vector<1000x128xf32>
    %get3A_26 = arith.constant 0 : index
    %get3A_27 = arith.constant 0 : index
    %get3A_28 = vector.load %arg7[%get3A_26, %get3A_27] : memref<128x128xf32, #tpu.memory_space<vmem>>, vector<128x128xf32>
    %dot_general3A_29 = arith.constant dense<0.000000e+00> : vector<1000x128xf32>
    %dot_general3A_30 = tpu.matmul %get3A_25, %get3A_28, %dot_general3A_29 {dimension_numbers = #tpu.dot_dimension_numbers<[1], [0], [0], [1], [0, 0, 1, 1], [], []>, transpose_lhs_hint = false} : vector<1000x128xf32>, vector<128x128xf32>, vector<1000x128xf32> -> vector<1000x128xf32>
    %add3A_31 = arith.addf %dot_general3A_22, %dot_general3A_30 : vector<1000x128xf32>
    %get3A_32 = arith.constant 0 : index
    %get3A_33 = arith.constant 0 : index
    %get3A_34 = vector.load %arg6[%get3A_32, %get3A_33] : memref<1x128xf32, #tpu.memory_space<vmem>>, vector<1x128xf32>
    %add3A_35 = vector.broadcast %get3A_34 : vector<1x128xf32> to vector<1000x128xf32>
    %add3A_36 = arith.addf %add3A_31, %add3A_35 : vector<1000x128xf32>
    %mul3A_37 = arith.mulf %add3A_36, %add3A_36 : vector<1000x128xf32>
    %reduce_sum3A = arith.constant dense<0.000000e+00> : vector<1000xf32>
    %reduce_sum3A_38 = vector.multi_reduction <add>, %mul3A_37, %reduce_sum3A [1] : vector<1000x128xf32> to vector<1000xf32>
    %broadcast_in_dim3A_39 = vector.shape_cast %reduce_sum3A_38 : vector<1000xf32> to vector<1000x1xf32>
    %sqrt3A = math.sqrt %broadcast_in_dim3A_39 : vector<1000x1xf32>
    %max3A_40 = arith.constant 9.99999996E-13 : f32
    %max3A_41 = vector.broadcast %max3A_40 : f32 to vector<1000x1xf32>
    %max3A_42 = arith.maximumf %sqrt3A, %max3A_41 : vector<1000x1xf32>
    %div3A_43 = vector.broadcast %max3A_42 : vector<1000x1xf32> to vector<1000x128xf32>
    %div3A_44 = arith.divf %add3A_36, %div3A_43 : vector<1000x128xf32>
    %gt3A = arith.constant 0.000000e+00 : f32
    %gt3A_45 = vector.broadcast %gt3A : f32 to vector<1000x128xf32>
    %gt3A_46 = arith.cmpf ogt, %div3A_44, %gt3A_45 : vector<1000x128xf32>
    %exp3A = math.exp %div3A_44 : vector<1000x128xf32>
    %sub3A = arith.constant 1.000000e+00 : f32
    %sub3A_47 = vector.broadcast %sub3A : f32 to vector<1000x128xf32>
    %sub3A_48 = arith.subf %exp3A, %sub3A_47 : vector<1000x128xf32>
    %select_n3A = arith.select %gt3A_46, %div3A_44, %sub3A_48 : vector<1000x128xi1>, vector<1000x128xf32>
    %swap3A = arith.constant 0 : index
    %swap3A_49 = arith.constant 0 : index
    %swap3A_50 = vector.load %arg8[%swap3A, %swap3A_49] : memref<1000x128xf32, #tpu.memory_space<vmem>>, vector<1000x128xf32>
    tpu.vector_store %arg8[%swap3A, %swap3A_49], %select_n3A {strides = array<i32>} : memref<1000x128xf32, #tpu.memory_space<vmem>>, vector<1000x128xf32>,
    return
  }
  func.func @transform_0(%arg0: i32) -> (i32, i32) {
    %c0_i32 = arith.constant 0 : i32
    %c0_i32_0 = arith.constant 0 : i32
    return %arg0, %c0_i32 : i32, i32
  }
  func.func @transform_1(%arg0: i32) -> (i32, i32) {
    %c0_i32 = arith.constant 0 : i32
    %c0_i32_0 = arith.constant 0 : i32
    return %arg0, %c0_i32 : i32, i32
  }
  func.func @transform_2(%arg0: i32) -> (i32, i32) {
    %c0_i32 = arith.constant 0 : i32
    %c0_i32_0 = arith.constant 0 : i32
    return %arg0, %c0_i32 : i32, i32
  }
  func.func @transform_3(%arg0: i32) -> (i32, i32) {
    %c0_i32 = arith.constant 0 : i32
    %c0_i32_0 = arith.constant 0 : i32
    return %arg0, %c0_i32 : i32, i32
  }
  func.func @transform_4(%arg0: i32) -> (i32, i32) {
    %c0_i32 = arith.constant 0 : i32
    %c0_i32_0 = arith.constant 0 : i32
    %c0_i32_1 = arith.constant 0 : i32
    return %c0_i32, %c0_i32_0 : i32, i32
  }
  func.func @transform_5(%arg0: i32) -> (i32, i32) {
    %c0_i32 = arith.constant 0 : i32
    %c0_i32_0 = arith.constant 0 : i32
    %c0_i32_1 = arith.constant 0 : i32
    return %c0_i32, %c0_i32_0 : i32, i32
  }
  func.func @transform_6(%arg0: i32) -> (i32, i32) {
    %c0_i32 = arith.constant 0 : i32
    %c0_i32_0 = arith.constant 0 : i32
    %c0_i32_1 = arith.constant 0 : i32
    return %c0_i32, %c0_i32_0 : i32, i32
  }
  func.func @transform_7(%arg0: i32) -> (i32, i32) {
    %c0_i32 = arith.constant 0 : i32
    %c0_i32_0 = arith.constant 0 : i32
    return %arg0, %c0_i32 : i32, i32
  }
}

module attributes {stable_mosaic.version = 14 : i64} {
  func.func @_dense_body(%arg0: i32, %arg1: memref<1000x128xf32, #tpu.memory_space<vmem>>, %arg2: memref<1000x128xf32, #tpu.memory_space<vmem>>, %arg3: memref<1000x2xf32, #tpu.memory_space<vmem>>, %arg4: memref<1000x128xf32, #tpu.memory_space<vmem>>, %arg5: memref<128x128xf32, #tpu.memory_space<vmem>>, %arg6: memref<1x128xf32, #tpu.memory_space<vmem>>, %arg7: memref<128x128xf32, #tpu.memory_space<vmem>>, %arg8: memref<1000x128xf32, #tpu.memory_space<vmem>>) attributes {dimension_semantics = [#tpu.dimension_semantics<arbitrary>], iteration_bounds = array<i64: 10>, scalar_prefetch = 0 : i64, scratch_operands = 0 : i64, tpu.core_type = #tpu.core_type<tc>, window_params = [{transform_indices = @transform_0, window_bounds = array<i64: 1000, 128>}, {transform_indices = @transform_1, window_bounds = array<i64: 1000, 128>}, {transform_indices = @transform_2, window_bounds = array<i64: 1000, 2>}, {transform_indices = @transform_3, window_bounds = array<i64: 1000, 128>}, {pipeline_mode = #tpu.pipeline_mode<synchronous>, transform_indices = @transform_4, window_bounds = array<i64: 128, 128>}, {pipeline_mode = #tpu.pipeline_mode<synchronous>, transform_indices = @transform_5, window_bounds = array<i64: 1, 128>}, {pipeline_mode = #tpu.pipeline_mode<synchronous>, transform_indices = @transform_6, window_bounds = array<i64: 128, 128>}, {transform_indices = @transform_7, window_bounds = array<i64: 1000, 128>}]} {
    %get3A = arith.constant 0 : index
    %get3A_0 = arith.constant 0 : index
    %get3A_1 = vector.load %arg3[%get3A, %get3A_0] : memref<1000x2xf32, #tpu.memory_space<vmem>>, vector<1000x1xf32>
    %get3A_2 = vector.shape_cast %get3A_1 : vector<1000x1xf32> to vector<1000xf32>
    %get3A_3 = arith.constant 0 : index
    %get3A_4 = arith.constant 1 : index
    %get3A_5 = vector.load %arg3[%get3A_3, %get3A_4] : memref<1000x2xf32, #tpu.memory_space<vmem>>, vector<1000x1xf32>
    %get3A_6 = vector.shape_cast %get3A_5 : vector<1000x1xf32> to vector<1000xf32>
    %add3A = arith.addf %get3A_2, %get3A_6 : vector<1000xf32>
    %max3A = arith.constant 1.000000e+00 : f32
    %max3A_7 = vector.broadcast %max3A : f32 to vector<1000xf32>
    %max3A_8 = arith.maximumf %add3A, %max3A_7 : vector<1000xf32>
    %div3A = arith.constant 1.000000e+00 : f32
    %div3A_9 = vector.broadcast %div3A : f32 to vector<1000xf32>
    %div3A_10 = arith.divf %div3A_9, %max3A_8 : vector<1000xf32>
    %get3A_11 = arith.constant 0 : index
    %get3A_12 = arith.constant 0 : index
    %get3A_13 = vector.load %arg1[%get3A_11, %get3A_12] : memref<1000x128xf32, #tpu.memory_space<vmem>>, vector<1000x128xf32>
    %get3A_14 = arith.constant 0 : index
    %get3A_15 = arith.constant 0 : index
    %get3A_16 = vector.load %arg2[%get3A_14, %get3A_15] : memref<1000x128xf32, #tpu.memory_space<vmem>>, vector<1000x128xf32>
    %add3A_17 = arith.addf %get3A_13, %get3A_16 : vector<1000x128xf32>
    %broadcast_in_dim3A = vector.shape_cast %div3A_10 : vector<1000xf32> to vector<1000x1xf32>
    %mul3A = vector.broadcast %broadcast_in_dim3A : vector<1000x1xf32> to vector<1000x128xf32>
    %mul3A_18 = arith.mulf %add3A_17, %mul3A : vector<1000x128xf32>
    %get3A_19 = arith.constant 0 : index
    %get3A_20 = arith.constant 0 : index
    %get3A_21 = vector.load %arg5[%get3A_19, %get3A_20] : memref<128x128xf32, #tpu.memory_space<vmem>>, vector<128x128xf32>
    %dot_general3A = arith.constant dense<0.000000e+00> : vector<1000x128xf32>
    %dot_general3A_22 = tpu.matmul %mul3A_18, %get3A_21, %dot_general3A {dimension_numbers = #tpu.dot_dimension_numbers<[1], [0], [0], [1], [0, 0, 1, 1], [], []>, transpose_lhs_hint = false} : vector<1000x128xf32>, vector<128x128xf32>, vector<1000x128xf32> -> vector<1000x128xf32>
    %get3A_23 = arith.constant 0 : index
    %get3A_24 = arith.constant 0 : index
    %get3A_25 = vector.load %arg4[%get3A_23, %get3A_24] : memref<1000x128xf32, #tpu.memory_space<vmem>>, vector<1000x128xf32>
    %get3A_26 = arith.constant 0 : index
    %get3A_27 = arith.constant 0 : index
    %get3A_28 = vector.load %arg7[%get3A_26, %get3A_27] : memref<128x128xf32, #tpu.memory_space<vmem>>, vector<128x128xf32>
    %dot_general3A_29 = arith.constant dense<0.000000e+00> : vector<1000x128xf32>
    %dot_general3A_30 = tpu.matmul %get3A_25, %get3A_28, %dot_general3A_29 {dimension_numbers = #tpu.dot_dimension_numbers<[1], [0], [0], [1], [0, 0, 1, 1], [], []>, transpose_lhs_hint = false} : vector<1000x128xf32>, vector<128x128xf32>, vector<1000x128xf32> -> vector<1000x128xf32>
    %add3A_31 = arith.addf %dot_general3A_22, %dot_general3A_30 : vector<1000x128xf32>
    %get3A_32 = arith.constant 0 : index
    %get3A_33 = arith.constant 0 : index
    %get3A_34 = vector.load %arg6[%get3A_32, %get3A_33] : memref<1x128xf32, #tpu.memory_space<vmem>>, vector<1x128xf32>
    %add3A_35 = vector.broadcast %get3A_34 : vector<1x128xf32> to vector<1000x128xf32>
    %add3A_36 = arith.addf %add3A_31, %add3A_35 : vector<1000x128xf32>
    %mul3A_37 = arith.mulf %add3A_36, %add3A_36 : vector<1000x128xf32>
    %reduce_sum3A = arith.constant dense<0.000000e+00> : vector<1000xf32>
    %reduce_sum3A_38 = vector.multi_reduction <add>, %mul3A_37, %reduce_sum3A [1] : vector<1000x128xf32> to vector<1000xf32>
    %broadcast_in_dim3A_39 = vector.shape_cast %reduce_sum3A_38 : vector<1000xf32> to vector<1000x1xf32>
    %sqrt3A = math.sqrt %broadcast_in_dim3A_39 : vector<1000x1xf32>
    %max3A_40 = arith.constant 9.99999996E-13 : f32
    %max3A_41 = vector.broadcast %max3A_40 : f32 to vector<1000x1xf32>
    %max3A_42 = arith.maximumf %sqrt3A, %max3A_41 : vector<1000x1xf32>
    %div3A_43 = vector.broadcast %max3A_42 : vector<1000x1xf32> to vector<1000x128xf32>
    %div3A_44 = arith.divf %add3A_36, %div3A_43 : vector<1000x128xf32>
    %gt3A = arith.constant 0.000000e+00 : f32
    %gt3A_45 = vector.broadcast %gt3A : f32 to vector<1000x128xf32>
    %gt3A_46 = arith.cmpf ogt, %div3A_44, %gt3A_45 : vector<1000x128xf32>
    %exp3A = math.exp %div3A_44 : vector<1000x128xf32>
    %sub3A = arith.constant 1.000000e+00 : f32
    %sub3A_47 = vector.broadcast %sub3A : f32 to vector<1000x128xf32>
    %sub3A_48 = arith.subf %exp3A, %sub3A_47 : vector<1000x128xf32>
    %select_n3A = arith.select %gt3A_46, %div3A_44, %sub3A_48 : vector<1000x128xi1>, vector<1000x128xf32>
    %swap3A = arith.constant 0 : index
    %swap3A_49 = arith.constant 0 : index
    %swap3A_50 = vector.load %arg8[%swap3A, %swap3A_49] : memref<1000x128xf32, #tpu.memory_space<vmem>>, vector<1000x128xf32>
    tpu.vector_store %arg8[%swap3A, %swap3A_49], %select_n3A {strides = array<i32>} : memref<1000x128xf32, #tpu.memory_space<vmem>>, vector<1000x128xf32>,
    return
  }
  func.func @transform_0(%arg0: i32) -> (i32, i32) {
    %c0_i32 = arith.constant 0 : i32
    %c0_i32_0 = arith.constant 0 : i32
    return %arg0, %c0_i32 : i32, i32
  }
  func.func @transform_1(%arg0: i32) -> (i32, i32) {
    %c0_i32 = arith.constant 0 : i32
    %c0_i32_0 = arith.constant 0 : i32
    return %arg0, %c0_i32 : i32, i32
  }
  func.func @transform_2(%arg0: i32) -> (i32, i32) {
    %c0_i32 = arith.constant 0 : i32
    %c0_i32_0 = arith.constant 0 : i32
    return %arg0, %c0_i32 : i32, i32
  }
  func.func @transform_3(%arg0: i32) -> (i32, i32) {
    %c0_i32 = arith.constant 0 : i32
    %c0_i32_0 = arith.constant 0 : i32
    return %arg0, %c0_i32 : i32, i32
  }
  func.func @transform_4(%arg0: i32) -> (i32, i32) {
    %c0_i32 = arith.constant 0 : i32
    %c0_i32_0 = arith.constant 0 : i32
    %c0_i32_1 = arith.constant 0 : i32
    return %c0_i32, %c0_i32_0 : i32, i32
  }
  func.func @transform_5(%arg0: i32) -> (i32, i32) {
    %c0_i32 = arith.constant 0 : i32
    %c0_i32_0 = arith.constant 0 : i32
    %c0_i32_1 = arith.constant 0 : i32
    return %c0_i32, %c0_i32_0 : i32, i32
  }
  func.func @transform_6(%arg0: i32) -> (i32, i32) {
    %c0_i32 = arith.constant 0 : i32
    %c0_i32_0 = arith.constant 0 : i32
    %c0_i32_1 = arith.constant 0 : i32
    return %c0_i32, %c0_i32_0 : i32, i32
  }
  func.func @transform_7(%arg0: i32) -> (i32, i32) {
    %c0_i32 = arith.constant 0 : i32
    %c0_i32_0 = arith.constant 0 : i32
    return %arg0, %c0_i32 : i32, i32
  }
}

</mosaic_0001>

<sc_bundles>
// kernel: kernel.6.cloned.1.call-start
scs
__scs_entry_jumppad:
0x0: {  	(pc) =	sbr.rel $0x88, $3  }
0x1: {  	(tag) =	ssettag $0x0;
	lr =	simm.s32 $0x1  }
0x2: {  	[smem:$0x3F99] =	sst lr;
	_ =	strace $0xD0000000  }
0x3: {  	_ = 	snop  }
0x4: {  	_ = 	snop  }
0x5: {  	_ = 	snop  }
0x6: {  	_ = 	snop  }
0x7: {  	_ = 	snop  }
__scs_overlays_trampoline_lowered:
0x8: {  	[smem:$0x3FA8] =	sst s0  }
0x9: {  	[smem:$0x3FA9] =	sst s1  }
0xa: {  	[smem:$0x3FAA] =	sst s2  }
0xb: {  	[smem:$0x3FAB] =	sst s3  }
0xc: {  	[smem:$0x3FAC] =	sst s4  }
0xd: {  	[smem:$0x3FAD] =	sst s5  }
0xe: {  	[smem:$0x3FAE] =	sst s6  }
0xf: {  	[smem:$0x3FAF] =	sst s7  }
0x10: {  	[smem:$0x3FB0] =	sst s8  }
0x11: {  	[smem:$0x3FB1] =	sst s9;
	s0 =	simm.s32 @!p0 $0x0  }
0x12: {  	s1 =	sld [smem:$0x3F97];
	s0 =	simm.s32 @p0 $0x1  }
0x13: {  	[smem:$0x3FB2] =	sst s0;
	s0 =	simm.s32 @!p1 $0x0  }
0x14: {  	s2 =	sld [smem:$0x3F96];
	s0 =	simm.s32 @p1 $0x1  }
0x15: {  	[smem:$0x3FB3] =	sst s0;
	s0 =	simm.s32 @!p2 $0x0  }
0x16: {  	s3 =	sld [smem:$0x3FDB];
	s0 =	simm.s32 @p2 $0x1  }
0x17: {  	s4 =	simm.s32 $0x1BF5;
	[smem:$0x3FB5] =	sst s0  }
0x18: {  	s0 =	sld [smem:$0x3F98];
	_ =	swait.ge [sflag:s4], $0x0  }
0x19: {  	s7 =	sld [smem:$0x3F99]  }
0x1a: {  	s8 =	sadd.s32 $0xFFFFE003, lr  }
0x1b: {  	s9 =	sadd.s32 $0xFFFFFEF7, lr;
	s5 =	simm.s32 $0xFFFFFFFF;
	p2 =	slt.u32 s8, $0xFFFFF086  }
0x1c: {  	p1 =	slt.u32 s9, $0xF7A;
	s5 =	simm.s32 @!p2 $0x0  }
0x1d: {  	s5 =	simm.s32 @p1 $0x1;
	p0 =	seq.s32 s7, s2  }
0x1e: {  	s7 =	smul.u32 @!p0 $0xF7A, s2;
	p2 =	seq.s32 @!p0 s5, $0x0  }
0x1f: {  	s9 =	smul.u32 $0xF7A, s1;
	s8 =	simm.s32 @!p0 $0x1BF5;
	p2 =	por !p2, p0  }
0x20: {  	[sflag:s8] =	ssyncset.s32 @!p0 $0xFFFFF086;
	s6 =	sadd.s32 @!p0 s3, s7;
	s7 =	simm.s32 @!p0 $0x108  }
0x21: {  	s3 =	sadd.s32 s3, s9;
	s6 =	sadd.s32 @!p0 $0x88, s6;
	s7 =	simm.s32 @p2 $0x1082  }
0x22: {  	[simem:s7], [sflag:s8] =	dma.local @!p0 [hbm:s6], $0xF7A  }
0x23: {  	s9 =	sor.u32 $0xD0000000, s2;
	s6 =	simm.s32 $0x108;
	_ =	swait.ge @!p0 [sflag:s8], $0x0  }
0x24: {  	s3 =	sadd.s32 $0x88, s3;
	s6 =	simm.s32 @!p1 $0x1082;
	[sflag:s4] =	ssyncset.s32 $0xFFFFF086  }
0x25: {  	[simem:s6], [sflag:s4] =	dma.local [hbm:s3], $0xF7A  }
0x26: {  	[smem:$0x3F99] =	sst s1;
	(tag) =	ssettag s2;
	_ =	strace s9  }
0x27: {  	s1 =	sld [smem:$0x3FA9]  }
0x28: {  	s2 =	sld [smem:$0x3FAA]  }
0x29: {  	s4 =	sld [smem:$0x3FAC]  }
0x2a: {  	p0 =	seq.s32 s5, $0x0;
	s5 =	sld [smem:$0x3FAD]  }
0x2b: {  	s6 =	sld [smem:$0x3FAE]  }
0x2c: {  	s7 =	sld [smem:$0x3FAF]  }
0x2d: {  	s3 =	simm.s32 $0x108;
	s8 =	sld [smem:$0x3FB0]  }
0x2e: {  	s3 =	simm.s32 @!p0 $0x1082;
	s9 =	sld [smem:$0x3FB1]  }
0x2f: {  	lr =	sadd.s32 s0, s3;
	s0 =	sld [smem:$0x3FA8]  }
0x30: {  	s3 =	sld [smem:$0x3FAB]  }
0x31: {  	[smem:$0x3FB4] =	sst s10  }
0x32: {  	s10 =	sld [smem:$0x3FB2];
	_ =	sdelay $0x3  }
0x33: {  	p0 =	seq.s32 s10, $0x1;
	s10 =	sld [smem:$0x3FB4];
	_ =	sdelay $0x3  }
0x34: {  	[smem:$0x3FB4] =	sst s10  }
0x35: {  	s10 =	sld [smem:$0x3FB3];
	_ =	sdelay $0x3  }
0x36: {  	p1 =	seq.s32 s10, $0x1;
	s10 =	sld [smem:$0x3FB4];
	_ =	sdelay $0x3  }
0x37: {  	[smem:$0x3FB4] =	sst s10  }
0x38: {  	s10 =	sld [smem:$0x3FB5]  }
0x39: {  	_ = 	snop;
	(pc) =	sbr.ind lr, $3  }
0x3a: {  	_ = 	snop  }
0x3b: {  	_ = 	snop  }
0x3c: {  	p2 =	seq.s32 s10, $0x1;
	s10 =	sld [smem:$0x3FB4]  }
0x3d: {  	_ =	shalt  }
0x3e: {  	_ =	shalt  }
0x3f: {  	_ =	shalt  }
0x40: {  	_ =	shalt  }
0x41: {  	_ =	shalt  }
0x42: {  	_ =	shalt  }
0x43: {  	_ =	shalt  }
0x44: {  	_ =	shalt  }
0x45: {  	_ =	shalt  }
0x46: {  	_ =	shalt  }
0x47: {  	_ =	shalt  }
0x48: {  	_ =	shalt  }
0x49: {  	_ =	shalt  }
0x4a: {  	_ =	shalt  }
0x4b: {  	_ =	shalt  }
0x4c: {  	_ =	shalt  }
0x4d: {  	_ =	shalt  }
0x4e: {  	_ =	shalt  }
0x4f: {  	_ =	shalt  }
0x50: {  	_ =	shalt  }
0x51: {  	_ =	shalt  }
0x52: {  	_ =	shalt  }
0x53: {  	_ =	shalt  }
0x54: {  	_ =	shalt  }
0x55: {  	_ =	shalt  }
0x56: {  	_ =	shalt  }
0x57: {  	_ =	shalt  }
0x58: {  	_ =	shalt  }
0x59: {  	_ =	shalt  }
0x5a: {  	_ =	shalt  }
0x5b: {  	_ =	shalt  }
0x5c: {  	_ =	shalt  }
0x5d: {  	_ =	shalt  }
0x5e: {  	_ =	shalt  }
0x5f: {  	_ =	shalt  }
0x60: {  	_ =	shalt  }
0x61: {  	_ =	shalt  }
0x62: {  	_ =	shalt  }
0x63: {  	_ =	shalt  }
0x64: {  	_ =	shalt  }
0x65: {  	_ =	shalt  }
0x66: {  	_ =	shalt  }
0x67: {  	_ =	shalt  }
0x68: {  	_ =	shalt  }
0x69: {  	_ =	shalt  }
0x6a: {  	_ =	shalt  }
0x6b: {  	_ =	shalt  }
0x6c: {  	_ =	shalt  }
0x6d: {  	_ =	shalt  }
0x6e: {  	_ =	shalt  }
0x6f: {  	_ =	shalt  }
0x70: {  	_ =	shalt  }
0x71: {  	_ =	shalt  }
0x72: {  	_ =	shalt  }
0x73: {  	_ =	shalt  }
0x74: {  	_ =	shalt  }
0x75: {  	_ =	shalt  }
0x76: {  	_ =	shalt  }
0x77: {  	_ =	shalt  }
0x78: {  	_ =	shalt  }
0x79: {  	_ =	shalt  }
0x7a: {  	_ =	shalt  }
0x7b: {  	_ =	shalt  }
0x7c: {  	_ =	shalt  }
0x7d: {  	_ =	shalt  }
0x7e: {  	_ =	shalt  }
0x7f: {  	_ =	shalt  }
0x80: {  	_ =	shalt  }
0x81: {  	_ =	shalt  }
0x82: {  	_ =	shalt  }
0x83: {  	_ =	shalt  }
0x84: {  	_ =	shalt  }
0x85: {  	_ =	shalt  }
0x86: {  	_ =	shalt  }
0x87: {  	_ =	shalt  }
.Lfunc_end0:
.L_simem_size_0:
called_computation_lowered:
.L_overlay_start_0:
0x88: {  	s2 =	sld [smem:$0x3FD9]  }
0x89: {  	s3 =	sld [smem:$0x3FFE];
	_ =	sdelay $0x1  }
0x8a: {  	s1 =	srdreg.scid  }
0x8b: {  	s0 =	sand.u32 $0x1, s1  }
0x8c: {  	s17 =	sshll.u32 s0, $0xA;
	s2 =	sadd.s32 s3, s2  }
0x8d: {  	s2 =	sadd.s32 s2, s17  }
0x8e: {  	[smem:$0x3FC0] =	sst s2  }
0x8f: {  	_ = 	snop  }
0x90: {  	s2 =	sld [smem:$0x3FC9]  }
0x91: {  	s18 =	sld [smem:$0x3FD0];
	(tm) =	ssettm $0x1  }
0x92: {  	s4 =	sld [smem:$0x3FFB];
	_ =	sdelay $0x3  }
0x93: {  	_ =	strace s4  }
0x94: {  	s4 =	sld [smem:$0x3FFC];
	_ =	sdelay $0x3  }
0x95: {  	_ =	strace s4  }
0x96: {  	s4 =	sld [smem:$0x3FFD];
	_ =	sdelay $0x3  }
0x97: {  	_ =	strace s4  }
0x98: {  	_ =	strace $0x8FFFFFFF  }
0x99: {  	s19 =	sld [smem:$0x3FDB];
	_ =	sdelay $0x1  }
0x9a: {  	s5 =	simm.s32 $_scs_section_size  }
0x9b: {  	s6 =	simm.s32 $_size__tile_overlayer_lowered;
	s7 =	simm.s32 $_tile_overlayer_lowered  }
0x9c: {  	s22 =	simm.s32 $0x1BFF;
	s21 =	sshll.u32 s7, $0x1;
	s4 =	sadd.s32 s5, s19  }
0x9d: {  	s8 =	simm.s32 $0x0;
	s20 =	sshll.u32 s6, $0x1;
	s6 =	sadd.s32 s21, s4  }
0x9e: {  	[timem:s8], [sflag:s22] =	dma.local [hbm:s6], s20  }
0x9f: {  	_ =	swait.ge [sflag:s22], s20  }
0xa0: {  	s5 =	ssub.s32 $0x0, s20;
	[sflag:s22] =	ssyncset.done $0x0  }
0xa1: {  	[sflag:s22] =	ssyncadd.s32 s5;
	_ =	sdelay $0x1  }
0xa2: {  	s23 =	simm.s32 $0x1B8B  }
0xa3: {  	_ =	swait.ge [sflag:s23], $0x1  }
0xa4: {  	[sflag:s23] =	ssyncset.done $0x0  }
0xa5: {  	s25 =	simm.s32 $0x1B8E;
	s24 =	sld [smem:$0x3FFE];
	[sflag:s23] =	ssyncadd.s32 $0xFFFFFFFF  }
0xa6: {  	s26 =	simm.s32 $execute0_lowered;
	[smem:$0x3FD2] =	sst s25  }
0xa7: {  	s6 =	sshll.u32 s26, $0x1;
	_ =	strace $0x80000046;
	[dreg:$0x1] =	wrdreg $0xFFFFFFFF  }
0xa8: {  	s28 =	simm.s32 $_size_execute0_lowered;
	s4 =	sadd.s32 s4, s6;
	[dreg:$0x0] =	wrdreg $0x0  }
0xa9: {  	s6 =	sshll.u32 s28, $0x1;
	[dreg:$0x2] =	wrdreg s4  }
0xaa: {  	[dreg:$0x3] =	wrdreg s6  }
0xab: {  	[dreg:$0x4] =	wrdreg $0xC0  }
0xac: {  	_ =	task [dreg:s8], $0x5FFFF  }
0xad: {  	[dreg:$0x1] =	wrdreg $0xFFFFFFFF  }
0xae: {  	[dreg:$0x0] =	wrdreg $0x60  }
0xaf: {  	[dreg:$0x2] =	wrdreg s2  }
0xb0: {  	[dreg:$0x3] =	wrdreg s24  }
0xb1: {  	[dreg:$0x4] =	wrdreg s18  }
0xb2: {  	[dreg:$0x5] =	wrdreg $0x0  }
0xb3: {  	[dreg:$0x6] =	wrdreg $0x140000  }
0xb4: {  	[dreg:$0x7] =	wrdreg $0x9  }
0xb5: {  	_ =	task.clear_ibuf [dreg:s8], $0x8FFFF;
	_ =	strace $0x90000046  }
0xb6: {  	s29 =	simm.s32 $0x9;
	_ =	strace $0x80000048  }
0xb7: {  	_ =	swait.ge [sflag:s29], $0x1  }
0xb8: {  	[sflag:s29] =	ssyncadd.s32 $0xFFFFFFFF  }
0xb9: {  	_ =	strace $0x90000048  }
0xba: {  	_ =	sfence  }
0xbb: {  	s30 =	sld [smem:$0x0];
	_ =	sdelay $0x2  }
0xbc: {  	s31 =	sshll.u32 s1, $0xD;
	s1 =	sshrl.u32 s1, $0x2  }
0xbd: {  	s3 =	sand.u32 $0x4000, s31;
	s1 =	sadd.s32 s1, s30  }
0xbe: {  	s0 =	sor.u32 s3, s0;
	s1 =	sshll.u32 s1, $0x11  }
0xbf: {  	s0 =	sor.u32 s1, s0  }
0xc0: {  	s0 =	sadd.s32 $0x8F2B, s0  }
0xc1: {  	[sflag:s0] =	ssyncadd.remote.s32 $0x1  }
0xc2: {  	_ =	sfence.sel $0xFFFF  }
0xc3: {  	[dreg:$0x0] =	wrdreg $0xFFFFFFFF;
	(pc) =	sbr.abs _section_cstart, $3  }
0xc4: {  	[dreg:$0x1] =	wrdreg $0xFFFFFFFF  }
0xc5: {  	_ =	task.clear_ibuf [dreg:s8], $0x2FFFF;
	_ =	strace $0x9FFFFFFF  }
0xc6: {  	(tm) =	ssettm $0x7FFFFFFF  }
0xc7: {  	_ =	shalt  }
tec
execute0_lowered:
.L_overlay_start_1:
0x0: {  	(tag) =	ssettag $0x1  }
0x1: {  	s1 =	rddreg [dreg:$0x0]  }
0x2: {  	s9 =	rddreg [dreg:$0x1]  }
0x3: {  	s12 =	rddreg [dreg:$0x2]  }
0x4: {  	s3 =	rddreg [dreg:$0x3]  }
0x5: {  	s4 =	rddreg [dreg:$0x4]  }
0x6: {  	s0 =	rddreg [dreg:$0x5]  }
0x7: {  	s2 =	stileid.u32;
	s6 =	srdreg.scid  }
0x8: {  	s5 =	simm.s32 $0x0;
	s19 =	simm.s32 $0x14280;
	s20 =	simm.s32 $0x80  }
0x9: {  	s21 =	simm.s32 $0x14380;
	s22 =	simm.s32 $0x1;
	s7 =	smul.u32 $0x43, s2  }
0xa: {  	s23 =	simm.s32 $0x14300;
	s10 =	sand.u32 $0x1, s6;
	s6 =	smul.u32 $0x5A, s2  }
0xb: {  	s24 =	simm.s32 $0x0;
	[smem:$0x7FF] =	sst s5;
	s11 =	smul.u32 $0x280, s2  }
0xc: {  	s8 =	sadd.s32 $0x15600, s9;
	s17 =	smul.u32 $0x50000, s2;
	s30 =	sshll.u32 s2, $0x6  }
0xd: {  	p0 =	seq.s32 s10, $0x0;
	s13 =	smul.u32 $0x2800, s10;
	s10 =	ssub.s32 $0x2, s10  }
0xe: {  	_ =	strace $0x80000047;
	s7 =	sadd.s32 $0x5A0, s7;
	s16 =	sshrl.u32 s10, $0x1  }
0xf: {  	s29 =	sshrl.u32 s17, $0x2;
	s31 =	sadd.s32 s11, s4;
	s7 =	smov.u32 @p0 s6  }
0x10: {  	s13 =	sadd.s32 s11, s13;
	s16 =	ssub.s32 s10, s16;
	s18 =	sadd.s32 s29, s3  }
0x11: {  	s10 =	sor.u32 $0x1C02, s30;
	s17 =	sshrl.u32 s31, $0x3;
	s6 =	sshll.u32 s7, $0x5  }
0x12: {  	s7 =	sadd.s32 $0x15800, s9;
	s15 =	sshll.u32 s13, $0x4;
	s13 =	sshrl.u32 s13, $0x3  }
0x13: {  	s14 =	sadd.s32 s6, s9;
	s6 =	sadd.s32 $0x15A00, s9;
	s15 =	sadd.s32 s15, s9  }
0x14: {  	s9 =	simm.s32 $0x5A;
	s12 =	sadd.s32 s12, s13;
	s13 =	smax.u32 s16, $0x1  }
0x15: {  	s16 =	simm.s32 $0x2;
	s9 =	simm.s32 @!p0 $0x43;
	s11 =	sadd.s32 $0x18200, s15  }
0x16: {  	s14 =	sadd.s32 $0x1C00, s14;
	s15 =	sshrl.u32 s18, $0x3;
	s18 =	simm.s32 $0x18380  }
.LBB2_1:
0x17: {  	[spmem:s15], [sflag:s10] =	dma.local [hbm:s6], $0x2800  }
0x18: {  	_ =	swait.ge [sflag:s16], $0x2800  }
0x19: {  	[sflag:s16] =	ssyncset.done $0x0  }
0x1a: {  	[sflag:s16] =	ssyncadd.s32 $0xFFFFD800  }
0x1b: {  	[spmem:s17], [sflag:s10] =	dma.local [hbm:s7], $0x50  }
0x1c: {  	_ =	swait.ge [sflag:s16], $0x50  }
0x1d: {  	[sflag:s16] =	ssyncset.done $0x0  }
0x1e: {  	[sflag:s16] =	ssyncadd.s32 $0xFFFFFFB0  }
0x1f: {  	[tilespmem:s18], [sflag:$0x2] =	stream.linear.gather [hbm4b:s8+s5], $0x80, $0x38;
	[tilespmem:$0x18400] =	vst v63  }
0x20: {  	_ =	swait.ge [sflag:s16], $0x80  }
0x21: {  	[sflag:s16] =	ssyncset.done $0x0  }
0x22: {  	[sflag:s16] =	ssyncadd.s32 $0xFFFFFF80  }
0x23: {  	[bflag:$0x0] =	sbarrier.arrive $0xFFFF  }
0x24: {  	[tilespmem:s19], [sflag:$0x2] =	stream.linear.gather [hbm4b:s14+s5], $0x100, $0x38;
	[tilespmem:$0x18400] =	vst v63  }
0x25: {  	_ =	swait.ge [sflag:s16], $0x100  }
0x26: {  	[sflag:s16] =	ssyncset.done $0x0  }
0x27: {  	[sflag:s16] =	ssyncadd.s32 $0xFFFFFF00  }
0x28: {  	[tilespmem:s21], [sflag:$0x1] =	stream.indirect.gather [hbm4b:s1+s20], $0x80, s19, s20, $0xb8;
	[tilespmem:$0x18400] =	vst v63  }
0x29: {  	_ =	swait.ge [sflag:s22], $0x4000  }
0x2a: {  	[sflag:s22] =	ssyncset.done $0x0  }
0x2b: {  	[sflag:s22] =	ssyncadd.s32 $0xFFFFC000  }
0x2c: {  	[spmem:s3] =	stream.indirect.scatter.add.f32 [tilespmem:s21], [sflag:$0x2], $0x80, s23, s20, $0xb8;
	[tilespmem:$0x18400] =	vst v63  }
0x2d: {  	p0 =	sne.s32 s9, $0x1;
	_ =	swait.ge [sflag:s16], $0x4000  }
.Ltmp0:
0x2e: {  	[sflag:s16] =	ssyncset.done $0x0;
	(pc) =	sbr.rel @!p0 .LBB2_3-.Ltmp0, $4  }
0x2f: {  	[sflag:s16] =	ssyncadd.s32 $0xFFFFC000  }
0x30: {  	[spmem:s4] =	stream.indirect.scatter.add.f32 [tilespmem:s18], [sflag:$0x2], $0x1, s23, s20, $0xb8;
	[tilespmem:$0x18400] =	vst v63  }
0x31: {  	_ =	swait.ge [sflag:s16], $0x80  }
0x32: {  	s25 =	sadd.s32 $0xFFFFFFFF, s9;
	s26 =	smov.u32 s14;
	[sflag:s16] =	ssyncset.done $0x0  }
.LBB2_2:
0x33: {  	p0 =	sne.s32 s25, $0x1;
	[sflag:s16] =	ssyncadd.s32 $0xFFFFFF80;
	s26 =	sadd.s32 $0x20, s26  }
0x34: {  	[tilespmem:s19], [sflag:$0x2] =	stream.linear.gather [hbm4b:s26+s5], $0x100, $0x38;
	[tilespmem:$0x18400] =	vst v63  }
0x35: {  	s25 =	sadd.s32 $0xFFFFFFFF, s25;
	_ =	swait.ge [sflag:s16], $0x100  }
0x36: {  	[sflag:s16] =	ssyncset.done $0x0  }
0x37: {  	[sflag:s16] =	ssyncadd.s32 $0xFFFFFF00  }
0x38: {  	[tilespmem:s21], [sflag:$0x1] =	stream.indirect.gather [hbm4b:s1+s20], $0x80, s19, s20, $0xb8;
	[tilespmem:$0x18400] =	vst v63  }
0x39: {  	_ =	swait.ge [sflag:s22], $0x4000  }
0x3a: {  	[sflag:s22] =	ssyncset.done $0x0  }
0x3b: {  	[sflag:s22] =	ssyncadd.s32 $0xFFFFC000  }
0x3c: {  	[spmem:s3] =	stream.indirect.scatter.add.f32 [tilespmem:s21], [sflag:$0x2], $0x80, s23, s20, $0xb8;
	[tilespmem:$0x18400] =	vst v63  }
0x3d: {  	_ =	swait.ge [sflag:s16], $0x4000  }
.Ltmp1:
0x3e: {  	[sflag:s16] =	ssyncset.done $0x0;
	(pc) =	sbr.rel @p0 .LBB2_2-.Ltmp1, $4  }
0x3f: {  	[sflag:s16] =	ssyncadd.s32 $0xFFFFC000  }
0x40: {  	[spmem:s4] =	stream.indirect.scatter.add.f32 [tilespmem:s18], [sflag:$0x2], $0x1, s23, s20, $0xb8;
	[tilespmem:$0x18400] =	vst v63  }
0x41: {  	_ =	swait.ge [sflag:s16], $0x80  }
0x42: {  	[sflag:s16] =	ssyncset.done $0x0  }
.LBB2_3:
0x43: {  	[sflag:s16] =	ssyncadd.s32 $0xFFFFFF80  }
0x44: {  	[bflag:$0x0] =	sbarrier.arrive $0xFFFF  }
0x45: {  	[hbm:s11], [sflag:s10] =	dma.local [spmem:s15], $0x2800  }
0x46: {  	s24 =	sadd.s32 $0x1, s24;
	_ =	swait.ge [sflag:s16], $0x2800  }
0x47: {  	p0 =	sne.s32 s24, s13;
	[sflag:s16] =	ssyncset.done $0x0  }
.Ltmp2:
0x48: {  	[sflag:s16] =	ssyncadd.s32 $0xFFFFD800;
	(pc) =	sbr.rel @p0 .LBB2_1-.Ltmp2, $4  }
0x49: {  	[hbm:s12], [sflag:s10] =	dma.local [spmem:s17], $0x50  }
0x4a: {  	_ =	swait.ge [sflag:s16], $0x50  }
0x4b: {  	[sflag:s16] =	ssyncset.done $0x0  }
0x4c: {  	[sflag:s16] =	ssyncadd.s32 $0xFFFFFFB0  }
0x4d: {  	_ =	sfence.sel $0x180000  }
0x4e: {  	[bflag:$0x0] =	sbarrier.arrive $0xFFFF  }
0x4f: {  	p0 =	sne.s32 s2, $0x0;
	_ =	strace $0x90000047  }
0x50: {  	s0 =	sadd.s32 @!p0 $0x100000, s0;
	[bflag:$0x2] =	sbarrier.arrive $0xFFFF  }
0x51: {  	[sflag:s0] =	ssyncadd.tile.s32 @!p0 $0x1;
	_ =	shalt  }
.Lfunc_end2:
_tile_overlayer_lowered:
.L_overlay_start_2:
0x52: {  	(tag) =	ssettag $0x2  }
0x53: {  	s0 =	rddreg [dreg:$0x0];
	s2 =	stileid.u32  }
0x54: {  	s1 =	rddreg [dreg:$0x1];
	p0 =	sne.s32 s2, $0x0  }
0x55: {  	s3 =	rddreg [dreg:$0x2];
	[bflag:$0x3] =	sbarrier.arrive $0xFFFF;
	s2 =	simm.s32 @!p0 $0x1C02  }
0x56: {  	[timem:s3], [sflag:s2] =	dma.local @!p0 [hbm:s0], s1  }
0x57: {  	s0 =	simm.s32 @!p0 $0x2  }
0x58: {  	_ =	swait.ge @!p0 [sflag:s0], s1  }
0x59: {  	s1 =	ssub.s32 @!p0 $0x0, s1;
	[sflag:s0] =	ssyncset.done @!p0 $0x0  }
0x5a: {  	[sflag:s0] =	ssyncadd.s32 @!p0 s1  }
0x5b: {  	[bflag:$0x3] =	sbarrier.arrive $0xFFFF  }
0x5c: {  	_ =	shalt  }

// kernel: kernel.9.cloned.1.call-start
scs
__scs_entry_jumppad:
0x0: {  	(pc) =	sbr.rel $0x88, $3  }
0x1: {  	(tag) =	ssettag $0x0;
	lr =	simm.s32 $0x1  }
0x2: {  	[smem:$0x3F99] =	sst lr;
	_ =	strace $0xD0000000  }
0x3: {  	_ = 	snop  }
0x4: {  	_ = 	snop  }
0x5: {  	_ = 	snop  }
0x6: {  	_ = 	snop  }
0x7: {  	_ = 	snop  }
__scs_overlays_trampoline_lowered:
0x8: {  	[smem:$0x3FA8] =	sst s0  }
0x9: {  	[smem:$0x3FA9] =	sst s1  }
0xa: {  	[smem:$0x3FAA] =	sst s2  }
0xb: {  	[smem:$0x3FAB] =	sst s3  }
0xc: {  	[smem:$0x3FAC] =	sst s4  }
0xd: {  	[smem:$0x3FAD] =	sst s5  }
0xe: {  	[smem:$0x3FAE] =	sst s6  }
0xf: {  	[smem:$0x3FAF] =	sst s7  }
0x10: {  	[smem:$0x3FB0] =	sst s8  }
0x11: {  	[smem:$0x3FB1] =	sst s9;
	s0 =	simm.s32 @!p0 $0x0  }
0x12: {  	s1 =	sld [smem:$0x3F97];
	s0 =	simm.s32 @p0 $0x1  }
0x13: {  	[smem:$0x3FB2] =	sst s0;
	s0 =	simm.s32 @!p1 $0x0  }
0x14: {  	s2 =	sld [smem:$0x3F96];
	s0 =	simm.s32 @p1 $0x1  }
0x15: {  	[smem:$0x3FB3] =	sst s0;
	s0 =	simm.s32 @!p2 $0x0  }
0x16: {  	s3 =	sld [smem:$0x3FDB];
	s0 =	simm.s32 @p2 $0x1  }
0x17: {  	s4 =	simm.s32 $0x1BF5;
	[smem:$0x3FB5] =	sst s0  }
0x18: {  	s0 =	sld [smem:$0x3F98];
	_ =	swait.ge [sflag:s4], $0x0  }
0x19: {  	s7 =	sld [smem:$0x3F99]  }
0x1a: {  	s8 =	sadd.s32 $0xFFFFE003, lr  }
0x1b: {  	s9 =	sadd.s32 $0xFFFFFEF7, lr;
	s5 =	simm.s32 $0xFFFFFFFF;
	p2 =	slt.u32 s8, $0xFFFFF086  }
0x1c: {  	p1 =	slt.u32 s9, $0xF7A;
	s5 =	simm.s32 @!p2 $0x0  }
0x1d: {  	s5 =	simm.s32 @p1 $0x1;
	p0 =	seq.s32 s7, s2  }
0x1e: {  	s7 =	smul.u32 @!p0 $0xF7A, s2;
	p2 =	seq.s32 @!p0 s5, $0x0  }
0x1f: {  	s9 =	smul.u32 $0xF7A, s1;
	s8 =	simm.s32 @!p0 $0x1BF5;
	p2 =	por !p2, p0  }
0x20: {  	[sflag:s8] =	ssyncset.s32 @!p0 $0xFFFFF086;
	s6 =	sadd.s32 @!p0 s3, s7;
	s7 =	simm.s32 @!p0 $0x108  }
0x21: {  	s3 =	sadd.s32 s3, s9;
	s6 =	sadd.s32 @!p0 $0x88, s6;
	s7 =	simm.s32 @p2 $0x1082  }
0x22: {  	[simem:s7], [sflag:s8] =	dma.local @!p0 [hbm:s6], $0xF7A  }
0x23: {  	s9 =	sor.u32 $0xD0000000, s2;
	s6 =	simm.s32 $0x108;
	_ =	swait.ge @!p0 [sflag:s8], $0x0  }
0x24: {  	s3 =	sadd.s32 $0x88, s3;
	s6 =	simm.s32 @!p1 $0x1082;
	[sflag:s4] =	ssyncset.s32 $0xFFFFF086  }
0x25: {  	[simem:s6], [sflag:s4] =	dma.local [hbm:s3], $0xF7A  }
0x26: {  	[smem:$0x3F99] =	sst s1;
	(tag) =	ssettag s2;
	_ =	strace s9  }
0x27: {  	s1 =	sld [smem:$0x3FA9]  }
0x28: {  	s2 =	sld [smem:$0x3FAA]  }
0x29: {  	s4 =	sld [smem:$0x3FAC]  }
0x2a: {  	p0 =	seq.s32 s5, $0x0;
	s5 =	sld [smem:$0x3FAD]  }
0x2b: {  	s6 =	sld [smem:$0x3FAE]  }
0x2c: {  	s7 =	sld [smem:$0x3FAF]  }
0x2d: {  	s3 =	simm.s32 $0x108;
	s8 =	sld [smem:$0x3FB0]  }
0x2e: {  	s3 =	simm.s32 @!p0 $0x1082;
	s9 =	sld [smem:$0x3FB1]  }
0x2f: {  	lr =	sadd.s32 s0, s3;
	s0 =	sld [smem:$0x3FA8]  }
0x30: {  	s3 =	sld [smem:$0x3FAB]  }
0x31: {  	[smem:$0x3FB4] =	sst s10  }
0x32: {  	s10 =	sld [smem:$0x3FB2];
	_ =	sdelay $0x3  }
0x33: {  	p0 =	seq.s32 s10, $0x1;
	s10 =	sld [smem:$0x3FB4];
	_ =	sdelay $0x3  }
0x34: {  	[smem:$0x3FB4] =	sst s10  }
0x35: {  	s10 =	sld [smem:$0x3FB3];
	_ =	sdelay $0x3  }
0x36: {  	p1 =	seq.s32 s10, $0x1;
	s10 =	sld [smem:$0x3FB4];
	_ =	sdelay $0x3  }
0x37: {  	[smem:$0x3FB4] =	sst s10  }
0x38: {  	s10 =	sld [smem:$0x3FB5]  }
0x39: {  	_ = 	snop;
	(pc) =	sbr.ind lr, $3  }
0x3a: {  	_ = 	snop  }
0x3b: {  	_ = 	snop  }
0x3c: {  	p2 =	seq.s32 s10, $0x1;
	s10 =	sld [smem:$0x3FB4]  }
0x3d: {  	_ =	shalt  }
0x3e: {  	_ =	shalt  }
0x3f: {  	_ =	shalt  }
0x40: {  	_ =	shalt  }
0x41: {  	_ =	shalt  }
0x42: {  	_ =	shalt  }
0x43: {  	_ =	shalt  }
0x44: {  	_ =	shalt  }
0x45: {  	_ =	shalt  }
0x46: {  	_ =	shalt  }
0x47: {  	_ =	shalt  }
0x48: {  	_ =	shalt  }
0x49: {  	_ =	shalt  }
0x4a: {  	_ =	shalt  }
0x4b: {  	_ =	shalt  }
0x4c: {  	_ =	shalt  }
0x4d: {  	_ =	shalt  }
0x4e: {  	_ =	shalt  }
0x4f: {  	_ =	shalt  }
0x50: {  	_ =	shalt  }
0x51: {  	_ =	shalt  }
0x52: {  	_ =	shalt  }
0x53: {  	_ =	shalt  }
0x54: {  	_ =	shalt  }
0x55: {  	_ =	shalt  }
0x56: {  	_ =	shalt  }
0x57: {  	_ =	shalt  }
0x58: {  	_ =	shalt  }
0x59: {  	_ =	shalt  }
0x5a: {  	_ =	shalt  }
0x5b: {  	_ =	shalt  }
0x5c: {  	_ =	shalt  }
0x5d: {  	_ =	shalt  }
0x5e: {  	_ =	shalt  }
0x5f: {  	_ =	shalt  }
0x60: {  	_ =	shalt  }
0x61: {  	_ =	shalt  }
0x62: {  	_ =	shalt  }
0x63: {  	_ =	shalt  }
0x64: {  	_ =	shalt  }
0x65: {  	_ =	shalt  }
0x66: {  	_ =	shalt  }
0x67: {  	_ =	shalt  }
0x68: {  	_ =	shalt  }
0x69: {  	_ =	shalt  }
0x6a: {  	_ =	shalt  }
0x6b: {  	_ =	shalt  }
0x6c: {  	_ =	shalt  }
0x6d: {  	_ =	shalt  }
0x6e: {  	_ =	shalt  }
0x6f: {  	_ =	shalt  }
0x70: {  	_ =	shalt  }
0x71: {  	_ =	shalt  }
0x72: {  	_ =	shalt  }
0x73: {  	_ =	shalt  }
0x74: {  	_ =	shalt  }
0x75: {  	_ =	shalt  }
0x76: {  	_ =	shalt  }
0x77: {  	_ =	shalt  }
0x78: {  	_ =	shalt  }
0x79: {  	_ =	shalt  }
0x7a: {  	_ =	shalt  }
0x7b: {  	_ =	shalt  }
0x7c: {  	_ =	shalt  }
0x7d: {  	_ =	shalt  }
0x7e: {  	_ =	shalt  }
0x7f: {  	_ =	shalt  }
0x80: {  	_ =	shalt  }
0x81: {  	_ =	shalt  }
0x82: {  	_ =	shalt  }
0x83: {  	_ =	shalt  }
0x84: {  	_ =	shalt  }
0x85: {  	_ =	shalt  }
0x86: {  	_ =	shalt  }
0x87: {  	_ =	shalt  }
.Lfunc_end0:
.L_simem_size_0:
called_computation.1_lowered:
.L_overlay_start_0:
0x88: {  	s2 =	sld [smem:$0x3FD9]  }
0x89: {  	s3 =	sld [smem:$0x3FFE];
	_ =	sdelay $0x1  }
0x8a: {  	s1 =	srdreg.scid  }
0x8b: {  	s0 =	sand.u32 $0x1, s1  }
0x8c: {  	s17 =	sshll.u32 s0, $0xA;
	s2 =	sadd.s32 s3, s2  }
0x8d: {  	s2 =	sadd.s32 s2, s17  }
0x8e: {  	[smem:$0x3FC0] =	sst s2  }
0x8f: {  	_ = 	snop  }
0x90: {  	s2 =	sld [smem:$0x3FD0];
	(tm) =	ssettm $0x1  }
0x91: {  	s18 =	sld [smem:$0x3FFB];
	_ =	sdelay $0x3  }
0x92: {  	_ =	strace s18  }
0x93: {  	s3 =	sld [smem:$0x3FFC];
	_ =	sdelay $0x3  }
0x94: {  	_ =	strace s3  }
0x95: {  	s3 =	sld [smem:$0x3FFD];
	_ =	sdelay $0x3  }
0x96: {  	_ =	strace s3  }
0x97: {  	_ =	strace $0x8FFFFFFF  }
0x98: {  	s19 =	sld [smem:$0x3FDB];
	_ =	sdelay $0x1  }
0x99: {  	s4 =	simm.s32 $_scs_section_size  }
0x9a: {  	s5 =	simm.s32 $_size__tile_overlayer_lowered;
	s6 =	simm.s32 $_tile_overlayer_lowered  }
0x9b: {  	s22 =	simm.s32 $0x1BFF;
	s21 =	sshll.u32 s6, $0x1;
	s3 =	sadd.s32 s4, s19  }
0x9c: {  	s7 =	simm.s32 $0x0;
	s20 =	sshll.u32 s5, $0x1;
	s5 =	sadd.s32 s21, s3  }
0x9d: {  	[timem:s7], [sflag:s22] =	dma.local [hbm:s5], s20  }
0x9e: {  	_ =	swait.ge [sflag:s22], s20  }
0x9f: {  	s4 =	ssub.s32 $0x0, s20;
	[sflag:s22] =	ssyncset.done $0x0  }
0xa0: {  	[sflag:s22] =	ssyncadd.s32 s4;
	_ =	sdelay $0x1  }
0xa1: {  	s23 =	simm.s32 $0x1B8B  }
0xa2: {  	_ =	swait.ge [sflag:s23], $0x1  }
0xa3: {  	[sflag:s23] =	ssyncset.done $0x0  }
0xa4: {  	s25 =	simm.s32 $0x1B8E;
	s24 =	sld [smem:$0x3FFE];
	[sflag:s23] =	ssyncadd.s32 $0xFFFFFFFF  }
0xa5: {  	s26 =	simm.s32 $execute0_lowered;
	[smem:$0x3FD2] =	sst s25  }
0xa6: {  	s5 =	sshll.u32 s26, $0x1;
	_ =	strace $0x80000049;
	[dreg:$0x1] =	wrdreg $0xFFFFFFFF  }
0xa7: {  	s28 =	simm.s32 $_size_execute0_lowered;
	s3 =	sadd.s32 s3, s5;
	[dreg:$0x0] =	wrdreg $0x0  }
0xa8: {  	s5 =	sshll.u32 s28, $0x1;
	[dreg:$0x2] =	wrdreg s3  }
0xa9: {  	[dreg:$0x3] =	wrdreg s5  }
0xaa: {  	[dreg:$0x4] =	wrdreg $0xC0  }
0xab: {  	_ =	task [dreg:s7], $0x5FFFF  }
0xac: {  	[dreg:$0x1] =	wrdreg $0xFFFFFFFF  }
0xad: {  	[dreg:$0x0] =	wrdreg $0x60  }
0xae: {  	[dreg:$0x2] =	wrdreg s2  }
0xaf: {  	[dreg:$0x3] =	wrdreg s24  }
0xb0: {  	[dreg:$0x4] =	wrdreg $0x0  }
0xb1: {  	[dreg:$0x5] =	wrdreg $0x140000  }
0xb2: {  	[dreg:$0x6] =	wrdreg $0x9  }
0xb3: {  	_ =	task.clear_ibuf [dreg:s7], $0x7FFFF;
	_ =	strace $0x90000049  }
0xb4: {  	s29 =	simm.s32 $0x9;
	_ =	strace $0x8000004B  }
0xb5: {  	_ =	swait.ge [sflag:s29], $0x1  }
0xb6: {  	[sflag:s29] =	ssyncadd.s32 $0xFFFFFFFF  }
0xb7: {  	_ =	strace $0x9000004B  }
0xb8: {  	_ =	sfence  }
0xb9: {  	s30 =	sld [smem:$0x0];
	_ =	sdelay $0x2  }
0xba: {  	s31 =	sshll.u32 s1, $0xD;
	s1 =	sshrl.u32 s1, $0x2  }
0xbb: {  	s3 =	sand.u32 $0x4000, s31;
	s1 =	sadd.s32 s1, s30  }
0xbc: {  	s0 =	sor.u32 s3, s0;
	s1 =	sshll.u32 s1, $0x11  }
0xbd: {  	s0 =	sor.u32 s1, s0  }
0xbe: {  	s0 =	sadd.s32 $0x8F2B, s0  }
0xbf: {  	[sflag:s0] =	ssyncadd.remote.s32 $0x1  }
0xc0: {  	_ =	sfence.sel $0xFFFF  }
0xc1: {  	[dreg:$0x0] =	wrdreg $0xFFFFFFFF;
	(pc) =	sbr.abs _section_cstart, $3  }
0xc2: {  	[dreg:$0x1] =	wrdreg $0xFFFFFFFF  }
0xc3: {  	_ =	task.clear_ibuf [dreg:s7], $0x2FFFF;
	_ =	strace $0x9FFFFFFF  }
0xc4: {  	(tm) =	ssettm $0x7FFFFFFF  }
0xc5: {  	_ =	shalt  }
tec
execute0_lowered:
.L_overlay_start_1:
0x0: {  	(tag) =	ssettag $0x1  }
0x1: {  	s1 =	rddreg [dreg:$0x0]  }
0x2: {  	s8 =	rddreg [dreg:$0x1]  }
0x3: {  	s2 =	rddreg [dreg:$0x2]  }
0x4: {  	s0 =	stileid.u32;
	s3 =	srdreg.scid  }
0x5: {  	s10 =	rddreg [dreg:$0x3];
	s17 =	simm.s32 $0x14280;
	s18 =	simm.s32 $0x80  }
0x6: {  	s19 =	simm.s32 $0x14380;
	s20 =	simm.s32 $0x1;
	s4 =	smul.u32 $0x43, s0  }
0x7: {  	s21 =	simm.s32 $0x14300;
	s22 =	simm.s32 $0x0;
	s5 =	smul.u32 $0x5A, s0  }
0x8: {  	s7 =	sand.u32 $0x1, s3;
	s3 =	rddreg [dreg:$0x4];
	s11 =	smul.u32 $0x280, s0  }
0x9: {  	s14 =	smul.u32 $0x50000, s0;
	s31 =	sshll.u32 s0, $0x6;
	p0 =	seq.s32 s7, $0x0  }
0xa: {  	s9 =	smul.u32 $0x2800, s7;
	s13 =	ssub.s32 $0x2, s7;
	s7 =	sadd.s32 $0x15600, s8  }
0xb: {  	s6 =	sadd.s32 $0x5A0, s4;
	s4 =	simm.s32 $0x0;
	s29 =	sshrl.u32 s13, $0x1  }
0xc: {  	s30 =	sshrl.u32 s14, $0x2;
	s16 =	sadd.s32 s11, s10;
	s6 =	smov.u32 @p0 s5  }
0xd: {  	[smem:$0x7FF] =	sst s4;
	s9 =	sadd.s32 s11, s9;
	s13 =	ssub.s32 s13, s29  }
0xe: {  	s14 =	sadd.s32 s30, s2;
	s5 =	sshll.u32 s6, $0x5;
	_ =	strace $0x8000004A  }
0xf: {  	s6 =	sadd.s32 $0x15800, s8;
	s9 =	sshll.u32 s9, $0x4;
	s11 =	smax.u32 s13, $0x1  }
0x10: {  	s13 =	sshrl.u32 s14, $0x3;
	s14 =	simm.s32 $0x2;
	s12 =	sadd.s32 s5, s8  }
0x11: {  	s5 =	sadd.s32 $0x15A00, s8;
	s15 =	sadd.s32 s9, s8;
	s8 =	simm.s32 $0x5A  }
0x12: {  	s9 =	sor.u32 $0x1C02, s31;
	s8 =	simm.s32 @!p0 $0x43;
	s10 =	sadd.s32 $0x18200, s15  }
0x13: {  	s12 =	sadd.s32 $0x1C00, s12;
	s15 =	sshrl.u32 s16, $0x3;
	s16 =	simm.s32 $0x18380  }
.LBB2_1:
0x14: {  	[spmem:s13], [sflag:s9] =	dma.local [hbm:s5], $0x2800  }
0x15: {  	_ =	swait.ge [sflag:s14], $0x2800  }
0x16: {  	[sflag:s14] =	ssyncset.done $0x0  }
0x17: {  	[sflag:s14] =	ssyncadd.s32 $0xFFFFD800  }
0x18: {  	[spmem:s15], [sflag:s9] =	dma.local [hbm:s6], $0x50  }
0x19: {  	_ =	swait.ge [sflag:s14], $0x50  }
0x1a: {  	[sflag:s14] =	ssyncset.done $0x0  }
0x1b: {  	[sflag:s14] =	ssyncadd.s32 $0xFFFFFFB0  }
0x1c: {  	[tilespmem:s16], [sflag:$0x2] =	stream.linear.gather [hbm4b:s7+s4], $0x80, $0x38;
	[tilespmem:$0x18400] =	vst v63  }
0x1d: {  	_ =	swait.ge [sflag:s14], $0x80  }
0x1e: {  	[sflag:s14] =	ssyncset.done $0x0  }
0x1f: {  	[sflag:s14] =	ssyncadd.s32 $0xFFFFFF80  }
0x20: {  	[bflag:$0x0] =	sbarrier.arrive $0xFFFF  }
0x21: {  	[tilespmem:s17], [sflag:$0x2] =	stream.linear.gather [hbm4b:s12+s4], $0x100, $0x38;
	[tilespmem:$0x18400] =	vst v63  }
0x22: {  	_ =	swait.ge [sflag:s14], $0x100  }
0x23: {  	[sflag:s14] =	ssyncset.done $0x0  }
0x24: {  	[sflag:s14] =	ssyncadd.s32 $0xFFFFFF00  }
0x25: {  	[tilespmem:s19], [sflag:$0x1] =	stream.indirect.gather [hbm4b:s1+s18], $0x80, s17, s18, $0xb8;
	[tilespmem:$0x18400] =	vst v63  }
0x26: {  	p0 =	sne.s32 s8, $0x1;
	_ =	swait.ge [sflag:s20], $0x4000  }
.Ltmp0:
0x27: {  	[sflag:s20] =	ssyncset.done $0x0;
	(pc) =	sbr.rel @!p0 .LBB2_3-.Ltmp0, $4  }
0x28: {  	[sflag:s20] =	ssyncadd.s32 $0xFFFFC000  }
0x29: {  	[spmem:s2] =	stream.indirect.scatter.add.f32 [tilespmem:s19], [sflag:$0x2], $0x80, s21, s18, $0xb8;
	[tilespmem:$0x18400] =	vst v63  }
0x2a: {  	_ =	swait.ge [sflag:s14], $0x4000  }
0x2b: {  	s23 =	sadd.s32 $0xFFFFFFFF, s8;
	s24 =	smov.u32 s12;
	[sflag:s14] =	ssyncset.done $0x0  }
.LBB2_2:
0x2c: {  	p0 =	sne.s32 s23, $0x1;
	[sflag:s14] =	ssyncadd.s32 $0xFFFFC000;
	s24 =	sadd.s32 $0x20, s24  }
0x2d: {  	[tilespmem:s17], [sflag:$0x2] =	stream.linear.gather [hbm4b:s24+s4], $0x100, $0x38;
	[tilespmem:$0x18400] =	vst v63  }
0x2e: {  	s23 =	sadd.s32 $0xFFFFFFFF, s23;
	_ =	swait.ge [sflag:s14], $0x100  }
0x2f: {  	[sflag:s14] =	ssyncset.done $0x0  }
0x30: {  	[sflag:s14] =	ssyncadd.s32 $0xFFFFFF00  }
0x31: {  	[tilespmem:s19], [sflag:$0x1] =	stream.indirect.gather [hbm4b:s1+s18], $0x80, s17, s18, $0xb8;
	[tilespmem:$0x18400] =	vst v63  }
0x32: {  	_ =	swait.ge [sflag:s20], $0x4000  }
.Ltmp1:
0x33: {  	[sflag:s20] =	ssyncset.done $0x0;
	(pc) =	sbr.rel @p0 .LBB2_2-.Ltmp1, $4  }
0x34: {  	[sflag:s20] =	ssyncadd.s32 $0xFFFFC000  }
0x35: {  	[spmem:s2] =	stream.indirect.scatter.add.f32 [tilespmem:s19], [sflag:$0x2], $0x80, s21, s18, $0xb8;
	[tilespmem:$0x18400] =	vst v63  }
0x36: {  	_ =	swait.ge [sflag:s14], $0x4000  }
0x37: {  	[sflag:s14] =	ssyncset.done $0x0  }
.LBB2_3:
0x38: {  	s22 =	sadd.s32 $0x1, s22  }
0x39: {  	[sflag:s14] =	ssyncadd.s32 $0xFFFFC000;
	p0 =	sne.s32 s22, s11  }
.Ltmp2:
0x3a: {  	[bflag:$0x0] =	sbarrier.arrive $0xFFFF;
	(pc) =	sbr.rel @p0 .LBB2_1-.Ltmp2, $4  }
0x3b: {  	[hbm:s10], [sflag:s9] =	dma.local [spmem:s13], $0x2800  }
0x3c: {  	_ =	swait.ge [sflag:s14], $0x2800  }
0x3d: {  	[sflag:s14] =	ssyncset.done $0x0  }
0x3e: {  	[sflag:s14] =	ssyncadd.s32 $0xFFFFD800  }
0x3f: {  	_ =	sfence.sel $0x180000  }
0x40: {  	[bflag:$0x0] =	sbarrier.arrive $0xFFFF  }
0x41: {  	p0 =	sne.s32 s0, $0x0;
	_ =	strace $0x9000004A  }
0x42: {  	s0 =	sadd.s32 @!p0 $0x100000, s3;
	[bflag:$0x2] =	sbarrier.arrive $0xFFFF  }
0x43: {  	[sflag:s0] =	ssyncadd.tile.s32 @!p0 $0x1;
	_ =	shalt  }
.Lfunc_end2:
_tile_overlayer_lowered:
.L_overlay_start_2:
0x44: {  	(tag) =	ssettag $0x2  }
0x45: {  	s0 =	rddreg [dreg:$0x0];
	s2 =	stileid.u32  }
0x46: {  	s1 =	rddreg [dreg:$0x1];
	p0 =	sne.s32 s2, $0x0  }
0x47: {  	s3 =	rddreg [dreg:$0x2];
	[bflag:$0x3] =	sbarrier.arrive $0xFFFF;
	s2 =	simm.s32 @!p0 $0x1C02  }
0x48: {  	[timem:s3], [sflag:s2] =	dma.local @!p0 [hbm:s0], s1  }
0x49: {  	s0 =	simm.s32 @!p0 $0x2  }
0x4a: {  	_ =	swait.ge @!p0 [sflag:s0], s1  }
0x4b: {  	s1 =	ssub.s32 @!p0 $0x0, s1;
	[sflag:s0] =	ssyncset.done @!p0 $0x0  }
0x4c: {  	[sflag:s0] =	ssyncadd.s32 @!p0 s1  }
0x4d: {  	[bflag:$0x3] =	sbarrier.arrive $0xFFFF  }
0x4e: {  	_ =	shalt  }

</sc_bundles>
